<compile_context>
chip_gen: v7x
topology: tpu7x:2x2x1
jax: 0.10.2.dev20260603
libtpu: 0.0.44.dev20260713+nightly
codegen_flags: <defaults>
</compile_context>

<pallas_src>
import jax
import jax.numpy as jnp
from jax import lax
from jax.experimental import pallas as pl
from jax.experimental.pallas import tpu as pltpu
from jax.experimental.pallas import tpu_sc as plsc

BINS = 10
EPS = 1e-08
ALPHA = 1.0 / (2 * BINS)
EDGES = [float(x) / BINS for x in range(BINS + 1)]
LOS = [EDGES[i] - ALPHA for i in range(BINS + 1)]

BATCH_PER_BLOCK = 2048
NS = 16
LANES = 16


def _stage1_body(predt_ref, tgt_ref, g_ref, loss_ref):
    x = predt_ref[...]
    t = tgt_ref[...]
    s = jnp.sum(jnp.exp(x), axis=0)
    rows = lax.broadcasted_iota(jnp.int32, x.shape, 0)
    p = jnp.sum(jnp.where(rows == t[None, :], x, 0.0), axis=0)
    g_ref[...] = 1.0 - jnp.exp(p) / s
    loss_ref[...] = -p + jnp.log(s + EPS)


def _make_sc_stage2(batch):
    ch = batch // NS
    nv = ch // LANES

    def dg(vec, idx):
        dn = lax.GatherDimensionNumbers(
            offset_dims=(), collapsed_slice_dims=(0,), start_index_map=(0,))
        return lax.gather(vec, idx[:, None], dn, slice_sizes=(1,),
                          mode=lax.GatherScatterMode.PROMISE_IN_BOUNDS)

    def body(g_hbm, loss_hbm, out_hbm,
             g_v, loss_v, cnt_all_v, acc_all_v,
             stage_cnt_v, stage_acc_v, stage_out_v, sh_cnt, sh_acc):
        cid = lax.axis_index("c")
        sid = lax.axis_index("s")
        base = sid * ch
        lane = lax.broadcasted_iota(jnp.int32, (LANES,), 0)

        def lane_sum(x):
            for sh in (8, 4, 2, 1):
                x = x + dg(x, (lane + sh) % LANES)
            return x

        pltpu.sync_copy(g_hbm.at[pl.ds(base, ch)], g_v)
        pltpu.sync_copy(loss_hbm.at[pl.ds(base, ch)], loss_v)

        def cnt_body(j, cnts):
            g = g_v[pl.ds(j * LANES, LANES)]
            ge = [g >= LOS[b] for b in range(BINS + 1)]
            ms = [ge[b] & (~ge[b + 1]) for b in range(BINS)] + [ge[BINS]]
            return tuple(cnts[b] + ms[b].astype(jnp.int32)
                         for b in range(BINS + 1))

        cnts = lax.fori_loop(
            0, nv, cnt_body,
            tuple(jnp.zeros((LANES,), jnp.int32) for _ in range(BINS + 1)))

        counts = jnp.zeros((LANES,), jnp.int32)
        for b in range(BINS + 1):
            counts = jnp.where(lane == b, lane_sum(cnts[b]), counts)

        stage_cnt_v[...] = counts
        pltpu.sync_copy(stage_cnt_v, sh_cnt.at[pl.ds(sid * LANES, LANES)])
        plsc.subcore_barrier()
        pltpu.sync_copy(sh_cnt, cnt_all_v)

        cg = cnt_all_v[pl.ds(0, LANES)]
        for k in range(1, NS):
            cg = cg + cnt_all_v[pl.ds(k * LANES, LANES)]

        nonempty = (cg > 0) & (lane < BINS + 1)
        nf = lane_sum(nonempty.astype(jnp.int32)).astype(jnp.float32)
        inv_all = jnp.where(
            cg > 0,
            (1.0 / jnp.maximum(cg, 1).astype(jnp.float32)) / nf,
            jnp.float32(0.0),
        )

        def acc_body(j, acc):
            g = g_v[pl.ds(j * LANES, LANES)]
            loss = loss_v[pl.ds(j * LANES, LANES)]
            bi = jnp.zeros((LANES,), jnp.int32)
            for b in range(BINS + 1):
                bi = bi + (g >= LOS[b]).astype(jnp.int32)
            bi = jnp.maximum(bi - 1, 0)
            return acc + loss * dg(inv_all, bi)

        acc = lax.fori_loop(0, nv, acc_body, jnp.zeros((LANES,), jnp.float32))

        stage_acc_v[...] = acc
        pltpu.sync_copy(stage_acc_v, sh_acc.at[pl.ds(sid * LANES, LANES)])
        plsc.subcore_barrier()

        @pl.when(jnp.logical_and(cid == 0, sid == 0))
        def _():
            pltpu.sync_copy(sh_acc, acc_all_v)
            tot = acc_all_v[pl.ds(0, LANES)]
            for k in range(1, NS):
                tot = tot + acc_all_v[pl.ds(k * LANES, LANES)]
            total = lane_sum(tot)
            stage_out_v[...] = jnp.where(lane == 0, total, jnp.float32(0.0))
            pltpu.sync_copy(stage_out_v, out_hbm)

    mesh = plsc.VectorSubcoreMesh(core_axis_name="c", subcore_axis_name="s")
    return pl.kernel(
        body,
        out_type=jax.ShapeDtypeStruct((LANES,), jnp.float32),
        mesh=mesh,
        compiler_params=pltpu.CompilerParams(needs_layout_passes=False),
        scratch_types=[
            pltpu.VMEM((ch,), jnp.float32),
            pltpu.VMEM((ch,), jnp.float32),
            pltpu.VMEM((NS * LANES,), jnp.int32),
            pltpu.VMEM((NS * LANES,), jnp.float32),
            pltpu.VMEM((LANES,), jnp.int32),
            pltpu.VMEM((LANES,), jnp.float32),
            pltpu.VMEM((LANES,), jnp.float32),
            pltpu.VMEM_SHARED((NS * LANES,), jnp.int32),
            pltpu.VMEM_SHARED((NS * LANES,), jnp.float32),
        ],
    )


def kernel(pred, target):
    batch, ncols = pred.shape
    target = target.astype(jnp.int32)
    nblocks = batch // BATCH_PER_BLOCK

    g, loss = pl.pallas_call(
        _stage1_body,
        grid=(nblocks,),
        in_specs=[
            pl.BlockSpec((ncols, BATCH_PER_BLOCK), lambda i: (0, i)),
            pl.BlockSpec((BATCH_PER_BLOCK,), lambda i: (i,)),
        ],
        out_specs=[
            pl.BlockSpec((BATCH_PER_BLOCK,), lambda i: (i,)),
            pl.BlockSpec((BATCH_PER_BLOCK,), lambda i: (i,)),
        ],
        out_shape=[
            jax.ShapeDtypeStruct((batch,), jnp.float32),
            jax.ShapeDtypeStruct((batch,), jnp.float32),
        ],
    )(pred.T, target)

    out = _make_sc_stage2(batch)(g, loss)
    return out[0]

# --- scband reference (transcript-rebuilt; emitter-appended) ---
"""Pipeline reference for scband-ghmc-loss-v2-12403865550912 (READ-ONLY COPY).

The authoritative reference and input builder live on the scoring server;
editing this copy changes nothing except your own understanding.
"""

import jax, jax.numpy as jnp
import numpy as np

BINS = 10
MOMENTUM = 0
EPS = 1e-08
ALPHA = 1.0 / (2 * BINS)
EDGES = [float(x) / BINS for x in range(BINS + 1)]


def setup_inputs(seed: int = 0) -> dict:
    key = jax.random.key(seed)
    k1, k2 = jax.random.split(key)
    pred = jax.random.normal(k1, (16384, 1000), dtype=jnp.float32)
    target = jax.random.randint(k2, (16384,), 0, 1000)
    return {"pred": pred, "target": target}


def _ghmc_forward(pred, target):
    batch_size = pred.shape[0]
    idx = jnp.arange(batch_size)
    # g computed on detached (stop_gradient) pred, matching pred.detach()
    sm = jax.nn.softmax(jax.lax.stop_gradient(pred), axis=1)
    g = 1.0 - sm[idx, target]
    weights = jnp.zeros((batch_size,), dtype=pred.dtype)
    n = jnp.zeros((), dtype=jnp.int32)
    for i in range(BINS + 1):
        inds = (g >= EDGES[i] - ALPHA) & (g < EDGES[i] + ALPHA)
        num_in_bin = jnp.sum(inds)
        w_i = jnp.where(
            num_in_bin > 0,
            1.0 / jnp.maximum(num_in_bin, 1).astype(pred.dtype),
            jnp.asarray(0.0, dtype=pred.dtype),
        )
        # only overwrites where inds is True; if bin empty, inds all False -> no-op
        weights = jnp.where(inds, w_i, weights)
        n = n + (num_in_bin > 0).astype(jnp.int32)
    weights = jnp.where(
        n > 0, weights / jnp.maximum(n, 1).astype(pred.dtype), weights
    )
    loss = -pred[idx, target] + jnp.log(jnp.exp(pred).sum(axis=1) + EPS)
    return (loss * weights).sum()


def reference(pred, target):
    return _ghmc_forward(pred, target)

if __name__ == "__main__":
    import jax
    _d = setup_inputs()
    print(jax.jit(kernel)(*tuple(_d.values())))

</pallas_src>

<mosaic_0001>
#map = affine_map<(d0, d1) -> (0)>
module attributes {stable_mosaic.version = 14 : i64} {
  func.func @body(%arg0: i32, %arg1: i32, %arg2: memref<16384xf32, #tpu.memory_space<hbm>>, %arg3: memref<16384xf32, #tpu.memory_space<hbm>>, %arg4: memref<16xf32, #tpu.memory_space<hbm>>, %arg5: memref<1024xf32, #tpu.memory_space<vmem>>, %arg6: memref<1024xf32, #tpu.memory_space<vmem>>, %arg7: memref<256xi32, #tpu.memory_space<vmem>>, %arg8: memref<256xf32, #tpu.memory_space<vmem>>, %arg9: memref<16xi32, #tpu.memory_space<vmem>>, %arg10: memref<16xf32, #tpu.memory_space<vmem>>, %arg11: memref<16xf32, #tpu.memory_space<vmem>>, %arg12: memref<256xi32, #tpu.memory_space<vmem_shared>>, %arg13: memref<256xf32, #tpu.memory_space<vmem_shared>>) attributes {dimension_semantics = [#tpu.dimension_semantics<core_parallel>, #tpu.dimension_semantics<subcore_parallel>], iteration_bounds = array<i64: 2, 16>, scalar_prefetch = 0 : i64, scratch_operands = 9 : i64, tpu.core_type = #tpu.core_type<sc_vector_subcore>, window_params = [{transform_indices = #map}, {transform_indices = #map}, {transform_indices = #map}]} {
    %mul3A = arith.constant 1024 : i32
    %mul3A_0 = arith.muli %arg1, %mul3A : i32
    %iota3A = tpu.iota {dimensions = array<i32: 0>} : vector<16xi32>
    "tpu.region"() ({
      %run_scoped3A = tpu.sem_alloc : memref<!tpu.dma_semaphore, #tpu.memory_space<semaphore_mem>>
      %dma_start3A = tpu.memref_slice %arg2[%mul3A_0] : memref<16384xf32, #tpu.memory_space<hbm>> -> memref<1024xf32, #tpu.memory_space<hbm>>
      %dma_start3A_1544 = tpu.memref_slice %arg2[%mul3A_0] : memref<16384xf32, #tpu.memory_space<hbm>> -> memref<1024xf32, #tpu.memory_space<hbm>>
      tpu.enqueue_dma source(%dma_start3A_1544 : memref<1024xf32, #tpu.memory_space<hbm>>) target(%arg5 : memref<1024xf32, #tpu.memory_space<vmem>>) target_semaphore(%run_scoped3A : memref<!tpu.dma_semaphore, #tpu.memory_space<semaphore_mem>>)
      %dma_wait3A = tpu.memref_slice %arg2[%mul3A_0] : memref<16384xf32, #tpu.memory_space<hbm>> -> memref<1024xf32, #tpu.memory_space<hbm>>
      %dma_wait3A_1545 = tpu.memref_slice %arg2[%mul3A_0] : memref<16384xf32, #tpu.memory_space<hbm>> -> memref<1024xf32, #tpu.memory_space<hbm>>
      tpu.wait_dma2 semaphore(%run_scoped3A : memref<!tpu.dma_semaphore, #tpu.memory_space<semaphore_mem>>) src(%dma_wait3A_1545 : memref<1024xf32, #tpu.memory_space<hbm>>) dst(%arg5 : memref<1024xf32, #tpu.memory_space<vmem>>)
      tpu.yield
    }) : () -> ()
    "tpu.region"() ({
      %run_scoped3A = tpu.sem_alloc : memref<!tpu.dma_semaphore, #tpu.memory_space<semaphore_mem>>
      %dma_start3A = tpu.memref_slice %arg3[%mul3A_0] : memref<16384xf32, #tpu.memory_space<hbm>> -> memref<1024xf32, #tpu.memory_space<hbm>>
      %dma_start3A_1544 = tpu.memref_slice %arg3[%mul3A_0] : memref<16384xf32, #tpu.memory_space<hbm>> -> memref<1024xf32, #tpu.memory_space<hbm>>
      tpu.enqueue_dma source(%dma_start3A_1544 : memref<1024xf32, #tpu.memory_space<hbm>>) target(%arg6 : memref<1024xf32, #tpu.memory_space<vmem>>) target_semaphore(%run_scoped3A : memref<!tpu.dma_semaphore, #tpu.memory_space<semaphore_mem>>)
      %dma_wait3A = tpu.memref_slice %arg3[%mul3A_0] : memref<16384xf32, #tpu.memory_space<hbm>> -> memref<1024xf32, #tpu.memory_space<hbm>>
      %dma_wait3A_1545 = tpu.memref_slice %arg3[%mul3A_0] : memref<16384xf32, #tpu.memory_space<hbm>> -> memref<1024xf32, #tpu.memory_space<hbm>>
      tpu.wait_dma2 semaphore(%run_scoped3A : memref<!tpu.dma_semaphore, #tpu.memory_space<semaphore_mem>>) src(%dma_wait3A_1545 : memref<1024xf32, #tpu.memory_space<hbm>>) dst(%arg6 : memref<1024xf32, #tpu.memory_space<vmem>>)
      tpu.yield
    }) : () -> ()
    %broadcast_in_dim3A = arith.constant 0 : i32
    %broadcast_in_dim3A_1 = vector.broadcast %broadcast_in_dim3A : i32 to vector<16xi32>
    %broadcast_in_dim3A_2 = arith.constant 0 : i32
    %broadcast_in_dim3A_3 = vector.broadcast %broadcast_in_dim3A_2 : i32 to vector<16xi32>
    %broadcast_in_dim3A_4 = arith.constant 0 : i32
    %broadcast_in_dim3A_5 = vector.broadcast %broadcast_in_dim3A_4 : i32 to vector<16xi32>
    %broadcast_in_dim3A_6 = arith.constant 0 : i32
    %broadcast_in_dim3A_7 = vector.broadcast %broadcast_in_dim3A_6 : i32 to vector<16xi32>
    %broadcast_in_dim3A_8 = arith.constant 0 : i32
    %broadcast_in_dim3A_9 = vector.broadcast %broadcast_in_dim3A_8 : i32 to vector<16xi32>
    %broadcast_in_dim3A_10 = arith.constant 0 : i32
    %broadcast_in_dim3A_11 = vector.broadcast %broadcast_in_dim3A_10 : i32 to vector<16xi32>
    %broadcast_in_dim3A_12 = arith.constant 0 : i32
    %broadcast_in_dim3A_13 = vector.broadcast %broadcast_in_dim3A_12 : i32 to vector<16xi32>
    %broadcast_in_dim3A_14 = arith.constant 0 : i32
    %broadcast_in_dim3A_15 = vector.broadcast %broadcast_in_dim3A_14 : i32 to vector<16xi32>
    %broadcast_in_dim3A_16 = arith.constant 0 : i32
    %broadcast_in_dim3A_17 = vector.broadcast %broadcast_in_dim3A_16 : i32 to vector<16xi32>
    %broadcast_in_dim3A_18 = arith.constant 0 : i32
    %broadcast_in_dim3A_19 = vector.broadcast %broadcast_in_dim3A_18 : i32 to vector<16xi32>
    %broadcast_in_dim3A_20 = arith.constant 0 : i32
    %broadcast_in_dim3A_21 = vector.broadcast %broadcast_in_dim3A_20 : i32 to vector<16xi32>
    %scan3A = arith.constant 0 : i32
    %scan3A_22 = arith.constant 64 : i32
    %scan3A_23 = arith.addi %scan3A, %scan3A_22 : i32
    %scan3A_24 = arith.constant 1 : i32
    %scan3A_25:11 = scf.for %scan3A_1544 = %scan3A to %scan3A_23 step %scan3A_24 iter_args(%scan3A_1545 = %broadcast_in_dim3A_1, %scan3A_1546 = %broadcast_in_dim3A_3, %scan3A_1547 = %broadcast_in_dim3A_5, %scan3A_1548 = %broadcast_in_dim3A_7, %scan3A_1549 = %broadcast_in_dim3A_9, %scan3A_1550 = %broadcast_in_dim3A_11, %scan3A_1551 = %broadcast_in_dim3A_13, %scan3A_1552 = %broadcast_in_dim3A_15, %scan3A_1553 = %broadcast_in_dim3A_17, %scan3A_1554 = %broadcast_in_dim3A_19, %scan3A_1555 = %broadcast_in_dim3A_21) -> (vector<16xi32>, vector<16xi32>, vector<16xi32>, vector<16xi32>, vector<16xi32>, vector<16xi32>, vector<16xi32>, vector<16xi32>, vector<16xi32>, vector<16xi32>, vector<16xi32>)  : i32 {
      %mul3A_1556 = arith.constant 16 : i32
      %mul3A_1557 = arith.muli %scan3A_1544, %mul3A_1556 : i32
      %get3A_1558 = arith.index_cast %mul3A_1557 : i32 to index
      %get3A_1559 = tpu.vector_load %arg5[%get3A_1558] {strides = array<i32>} : memref<1024xf32, #tpu.memory_space<vmem>>, vector<16xf32>,
      %ge3A = arith.constant -5.000000e-02 : f32
      %ge3A_1560 = vector.broadcast %ge3A : f32 to vector<16xf32>
      %ge3A_1561 = arith.cmpf oge, %get3A_1559, %ge3A_1560 : vector<16xf32>
      %ge3A_1562 = arith.constant 5.000000e-02 : f32
      %ge3A_1563 = vector.broadcast %ge3A_1562 : f32 to vector<16xf32>
      %ge3A_1564 = arith.cmpf oge, %get3A_1559, %ge3A_1563 : vector<16xf32>
      %ge3A_1565 = arith.constant 1.500000e-01 : f32
      %ge3A_1566 = vector.broadcast %ge3A_1565 : f32 to vector<16xf32>
      %ge3A_1567 = arith.cmpf oge, %get3A_1559, %ge3A_1566 : vector<16xf32>
      %ge3A_1568 = arith.constant 2.500000e-01 : f32
      %ge3A_1569 = vector.broadcast %ge3A_1568 : f32 to vector<16xf32>
      %ge3A_1570 = arith.cmpf oge, %get3A_1559, %ge3A_1569 : vector<16xf32>
      %ge3A_1571 = arith.constant 3.500000e-01 : f32
      %ge3A_1572 = vector.broadcast %ge3A_1571 : f32 to vector<16xf32>
      %ge3A_1573 = arith.cmpf oge, %get3A_1559, %ge3A_1572 : vector<16xf32>
      %ge3A_1574 = arith.constant 4.500000e-01 : f32
      %ge3A_1575 = vector.broadcast %ge3A_1574 : f32 to vector<16xf32>
      %ge3A_1576 = arith.cmpf oge, %get3A_1559, %ge3A_1575 : vector<16xf32>
      %ge3A_1577 = arith.constant 5.500000e-01 : f32
      %ge3A_1578 = vector.broadcast %ge3A_1577 : f32 to vector<16xf32>
      %ge3A_1579 = arith.cmpf oge, %get3A_1559, %ge3A_1578 : vector<16xf32>
      %ge3A_1580 = arith.constant 6.500000e-01 : f32
      %ge3A_1581 = vector.broadcast %ge3A_1580 : f32 to vector<16xf32>
      %ge3A_1582 = arith.cmpf oge, %get3A_1559, %ge3A_1581 : vector<16xf32>
      %ge3A_1583 = arith.constant 7.500000e-01 : f32
      %ge3A_1584 = vector.broadcast %ge3A_1583 : f32 to vector<16xf32>
      %ge3A_1585 = arith.cmpf oge, %get3A_1559, %ge3A_1584 : vector<16xf32>
      %ge3A_1586 = arith.constant 8.500000e-01 : f32
      %ge3A_1587 = vector.broadcast %ge3A_1586 : f32 to vector<16xf32>
      %ge3A_1588 = arith.cmpf oge, %get3A_1559, %ge3A_1587 : vector<16xf32>
      %ge3A_1589 = arith.constant 0.949999988 : f32
      %ge3A_1590 = vector.broadcast %ge3A_1589 : f32 to vector<16xf32>
      %ge3A_1591 = arith.cmpf oge, %get3A_1559, %ge3A_1590 : vector<16xf32>
      %not3A = arith.constant dense<true> : vector<16xi1>
      %not3A_1592 = arith.xori %ge3A_1564, %not3A : vector<16xi1>
      %and3A_1593 = arith.andi %ge3A_1561, %not3A_1592 : vector<16xi1>
      %not3A_1594 = arith.constant dense<true> : vector<16xi1>
      %not3A_1595 = arith.xori %ge3A_1567, %not3A_1594 : vector<16xi1>
      %and3A_1596 = arith.andi %ge3A_1564, %not3A_1595 : vector<16xi1>
      %not3A_1597 = arith.constant dense<true> : vector<16xi1>
      %not3A_1598 = arith.xori %ge3A_1570, %not3A_1597 : vector<16xi1>
      %and3A_1599 = arith.andi %ge3A_1567, %not3A_1598 : vector<16xi1>
      %not3A_1600 = arith.constant dense<true> : vector<16xi1>
      %not3A_1601 = arith.xori %ge3A_1573, %not3A_1600 : vector<16xi1>
      %and3A_1602 = arith.andi %ge3A_1570, %not3A_1601 : vector<16xi1>
      %not3A_1603 = arith.constant dense<true> : vector<16xi1>
      %not3A_1604 = arith.xori %ge3A_1576, %not3A_1603 : vector<16xi1>
      %and3A_1605 = arith.andi %ge3A_1573, %not3A_1604 : vector<16xi1>
      %not3A_1606 = arith.constant dense<true> : vector<16xi1>
      %not3A_1607 = arith.xori %ge3A_1579, %not3A_1606 : vector<16xi1>
      %and3A_1608 = arith.andi %ge3A_1576, %not3A_1607 : vector<16xi1>
      %not3A_1609 = arith.constant dense<true> : vector<16xi1>
      %not3A_1610 = arith.xori %ge3A_1582, %not3A_1609 : vector<16xi1>
      %and3A_1611 = arith.andi %ge3A_1579, %not3A_1610 : vector<16xi1>
      %not3A_1612 = arith.constant dense<true> : vector<16xi1>
      %not3A_1613 = arith.xori %ge3A_1585, %not3A_1612 : vector<16xi1>
      %and3A_1614 = arith.andi %ge3A_1582, %not3A_1613 : vector<16xi1>
      %not3A_1615 = arith.constant dense<true> : vector<16xi1>
      %not3A_1616 = arith.xori %ge3A_1588, %not3A_1615 : vector<16xi1>
      %and3A_1617 = arith.andi %ge3A_1585, %not3A_1616 : vector<16xi1>
      %not3A_1618 = arith.constant dense<true> : vector<16xi1>
      %not3A_1619 = arith.xori %ge3A_1591, %not3A_1618 : vector<16xi1>
      %and3A_1620 = arith.andi %ge3A_1588, %not3A_1619 : vector<16xi1>
      %convert_element_type3A_1621 = arith.extui %and3A_1593 : vector<16xi1> to vector<16xi32>
      %add3A_1622 = arith.addi %scan3A_1545, %convert_element_type3A_1621 : vector<16xi32>
      %convert_element_type3A_1623 = arith.extui %and3A_1596 : vector<16xi1> to vector<16xi32>
      %add3A_1624 = arith.addi %scan3A_1546, %convert_element_type3A_1623 : vector<16xi32>
      %convert_element_type3A_1625 = arith.extui %and3A_1599 : vector<16xi1> to vector<16xi32>
      %add3A_1626 = arith.addi %scan3A_1547, %convert_element_type3A_1625 : vector<16xi32>
      %convert_element_type3A_1627 = arith.extui %and3A_1602 : vector<16xi1> to vector<16xi32>
      %add3A_1628 = arith.addi %scan3A_1548, %convert_element_type3A_1627 : vector<16xi32>
      %convert_element_type3A_1629 = arith.extui %and3A_1605 : vector<16xi1> to vector<16xi32>
      %add3A_1630 = arith.addi %scan3A_1549, %convert_element_type3A_1629 : vector<16xi32>
      %convert_element_type3A_1631 = arith.extui %and3A_1608 : vector<16xi1> to vector<16xi32>
      %add3A_1632 = arith.addi %scan3A_1550, %convert_element_type3A_1631 : vector<16xi32>
      %convert_element_type3A_1633 = arith.extui %and3A_1611 : vector<16xi1> to vector<16xi32>
      %add3A_1634 = arith.addi %scan3A_1551, %convert_element_type3A_1633 : vector<16xi32>
      %convert_element_type3A_1635 = arith.extui %and3A_1614 : vector<16xi1> to vector<16xi32>
      %add3A_1636 = arith.addi %scan3A_1552, %convert_element_type3A_1635 : vector<16xi32>
      %convert_element_type3A_1637 = arith.extui %and3A_1617 : vector<16xi1> to vector<16xi32>
      %add3A_1638 = arith.addi %scan3A_1553, %convert_element_type3A_1637 : vector<16xi32>
      %convert_element_type3A_1639 = arith.extui %and3A_1620 : vector<16xi1> to vector<16xi32>
      %add3A_1640 = arith.addi %scan3A_1554, %convert_element_type3A_1639 : vector<16xi32>
      %convert_element_type3A_1641 = arith.extui %ge3A_1591 : vector<16xi1> to vector<16xi32>
      %add3A_1642 = arith.addi %scan3A_1555, %convert_element_type3A_1641 : vector<16xi32>
      scf.yield %add3A_1622, %add3A_1624, %add3A_1626, %add3A_1628, %add3A_1630, %add3A_1632, %add3A_1634, %add3A_1636, %add3A_1638, %add3A_1640, %add3A_1642 : vector<16xi32>, vector<16xi32>, vector<16xi32>, vector<16xi32>, vector<16xi32>, vector<16xi32>, vector<16xi32>, vector<16xi32>, vector<16xi32>, vector<16xi32>, vector<16xi32>
    }
    %scan3A_26 = arith.constant 64 : i32
    %broadcast_in_dim3A_27 = arith.constant 0 : i32
    %broadcast_in_dim3A_28 = vector.broadcast %broadcast_in_dim3A_27 : i32 to vector<16xi32>
    %eq3A = arith.constant 0 : i32
    %eq3A_29 = vector.broadcast %eq3A : i32 to vector<16xi32>
    %eq3A_30 = arith.cmpi eq, %iota3A, %eq3A_29 : vector<16xi32>
    %add3A = arith.constant 8 : i32
    %add3A_31 = vector.broadcast %add3A : i32 to vector<16xi32>
    %add3A_32 = arith.addi %iota3A, %add3A_31 : vector<16xi32>
    %jit3A = arith.constant 16 : i32
    %eq3A_33 = arith.constant 0 : i32
    %eq3A_34 = arith.cmpi eq, %jit3A, %eq3A_33 : i32
    %jit3A_35 = arith.constant 1 : i32
    %select_n3A = arith.select %eq3A_34, %jit3A_35, %jit3A : i32
    %rem3A = vector.broadcast %select_n3A : i32 to vector<16xi32>
    %rem3A_36 = arith.remsi %add3A_32, %rem3A : vector<16xi32>
    %ne3A = arith.constant 0 : i32
    %ne3A_37 = vector.broadcast %ne3A : i32 to vector<16xi32>
    %ne3A_38 = arith.cmpi ne, %rem3A_36, %ne3A_37 : vector<16xi32>
    %lt3A = arith.constant 0 : i32
    %lt3A_39 = vector.broadcast %lt3A : i32 to vector<16xi32>
    %lt3A_40 = arith.cmpi slt, %rem3A_36, %lt3A_39 : vector<16xi32>
    %lt3A_41 = arith.constant 0 : i32
    %lt3A_42 = arith.cmpi slt, %select_n3A, %lt3A_41 : i32
    %ne3A_43 = vector.broadcast %lt3A_42 : i1 to vector<16xi1>
    %ne3A_44 = vector.broadcast %ne3A_43 : vector<16xi1> to vector<16xi1>
    %ne3A_45 = arith.xori %lt3A_40, %ne3A_44 : vector<16xi1>
    %and3A = arith.andi %ne3A_45, %ne3A_38 : vector<16xi1>
    %add3A_46 = vector.broadcast %select_n3A : i32 to vector<16xi32>
    %add3A_47 = arith.addi %rem3A_36, %add3A_46 : vector<16xi32>
    %select_n3A_48 = arith.select %and3A, %add3A_47, %rem3A_36 : vector<16xi1>, vector<16xi32>
    %broadcast_in_dim3A_49 = vector.shape_cast %select_n3A_48 : vector<16xi32> to vector<16x1xi32>
    %gather3A = vector.shape_cast %broadcast_in_dim3A_49 : vector<16x1xi32> to vector<16xi32>
    %gather3A_50 = tpu.dynamic_gather %scan3A_25#0[%gather3A] in [0] : vector<16xi32>, vector<16xi32> -> vector<16xi32>
    %add3A_51 = arith.addi %scan3A_25#0, %gather3A_50 : vector<16xi32>
    %add3A_52 = arith.constant 4 : i32
    %add3A_53 = vector.broadcast %add3A_52 : i32 to vector<16xi32>
    %add3A_54 = arith.addi %iota3A, %add3A_53 : vector<16xi32>
    %jit3A_55 = arith.constant 16 : i32
    %eq3A_56 = arith.constant 0 : i32
    %eq3A_57 = arith.cmpi eq, %jit3A_55, %eq3A_56 : i32
    %jit3A_58 = arith.constant 1 : i32
    %select_n3A_59 = arith.select %eq3A_57, %jit3A_58, %jit3A_55 : i32
    %rem3A_60 = vector.broadcast %select_n3A_59 : i32 to vector<16xi32>
    %rem3A_61 = arith.remsi %add3A_54, %rem3A_60 : vector<16xi32>
    %ne3A_62 = arith.constant 0 : i32
    %ne3A_63 = vector.broadcast %ne3A_62 : i32 to vector<16xi32>
    %ne3A_64 = arith.cmpi ne, %rem3A_61, %ne3A_63 : vector<16xi32>
    %lt3A_65 = arith.constant 0 : i32
    %lt3A_66 = vector.broadcast %lt3A_65 : i32 to vector<16xi32>
    %lt3A_67 = arith.cmpi slt, %rem3A_61, %lt3A_66 : vector<16xi32>
    %lt3A_68 = arith.constant 0 : i32
    %lt3A_69 = arith.cmpi slt, %select_n3A_59, %lt3A_68 : i32
    %ne3A_70 = vector.broadcast %lt3A_69 : i1 to vector<16xi1>
    %ne3A_71 = vector.broadcast %ne3A_70 : vector<16xi1> to vector<16xi1>
    %ne3A_72 = arith.xori %lt3A_67, %ne3A_71 : vector<16xi1>
    %and3A_73 = arith.andi %ne3A_72, %ne3A_64 : vector<16xi1>
    %add3A_74 = vector.broadcast %select_n3A_59 : i32 to vector<16xi32>
    %add3A_75 = arith.addi %rem3A_61, %add3A_74 : vector<16xi32>
    %select_n3A_76 = arith.select %and3A_73, %add3A_75, %rem3A_61 : vector<16xi1>, vector<16xi32>
    %broadcast_in_dim3A_77 = vector.shape_cast %select_n3A_76 : vector<16xi32> to vector<16x1xi32>
    %gather3A_78 = vector.shape_cast %broadcast_in_dim3A_77 : vector<16x1xi32> to vector<16xi32>
    %gather3A_79 = tpu.dynamic_gather %add3A_51[%gather3A_78] in [0] : vector<16xi32>, vector<16xi32> -> vector<16xi32>
    %add3A_80 = arith.addi %add3A_51, %gather3A_79 : vector<16xi32>
    %add3A_81 = arith.constant 2 : i32
    %add3A_82 = vector.broadcast %add3A_81 : i32 to vector<16xi32>
    %add3A_83 = arith.addi %iota3A, %add3A_82 : vector<16xi32>
    %jit3A_84 = arith.constant 16 : i32
    %eq3A_85 = arith.constant 0 : i32
    %eq3A_86 = arith.cmpi eq, %jit3A_84, %eq3A_85 : i32
    %jit3A_87 = arith.constant 1 : i32
    %select_n3A_88 = arith.select %eq3A_86, %jit3A_87, %jit3A_84 : i32
    %rem3A_89 = vector.broadcast %select_n3A_88 : i32 to vector<16xi32>
    %rem3A_90 = arith.remsi %add3A_83, %rem3A_89 : vector<16xi32>
    %ne3A_91 = arith.constant 0 : i32
    %ne3A_92 = vector.broadcast %ne3A_91 : i32 to vector<16xi32>
    %ne3A_93 = arith.cmpi ne, %rem3A_90, %ne3A_92 : vector<16xi32>
    %lt3A_94 = arith.constant 0 : i32
    %lt3A_95 = vector.broadcast %lt3A_94 : i32 to vector<16xi32>
    %lt3A_96 = arith.cmpi slt, %rem3A_90, %lt3A_95 : vector<16xi32>
    %lt3A_97 = arith.constant 0 : i32
    %lt3A_98 = arith.cmpi slt, %select_n3A_88, %lt3A_97 : i32
    %ne3A_99 = vector.broadcast %lt3A_98 : i1 to vector<16xi1>
    %ne3A_100 = vector.broadcast %ne3A_99 : vector<16xi1> to vector<16xi1>
    %ne3A_101 = arith.xori %lt3A_96, %ne3A_100 : vector<16xi1>
    %and3A_102 = arith.andi %ne3A_101, %ne3A_93 : vector<16xi1>
    %add3A_103 = vector.broadcast %select_n3A_88 : i32 to vector<16xi32>
    %add3A_104 = arith.addi %rem3A_90, %add3A_103 : vector<16xi32>
    %select_n3A_105 = arith.select %and3A_102, %add3A_104, %rem3A_90 : vector<16xi1>, vector<16xi32>
    %broadcast_in_dim3A_106 = vector.shape_cast %select_n3A_105 : vector<16xi32> to vector<16x1xi32>
    %gather3A_107 = vector.shape_cast %broadcast_in_dim3A_106 : vector<16x1xi32> to vector<16xi32>
    %gather3A_108 = tpu.dynamic_gather %add3A_80[%gather3A_107] in [0] : vector<16xi32>, vector<16xi32> -> vector<16xi32>
    %add3A_109 = arith.addi %add3A_80, %gather3A_108 : vector<16xi32>
    %add3A_110 = arith.constant 1 : i32
    %add3A_111 = vector.broadcast %add3A_110 : i32 to vector<16xi32>
    %add3A_112 = arith.addi %iota3A, %add3A_111 : vector<16xi32>
    %jit3A_113 = arith.constant 16 : i32
    %eq3A_114 = arith.constant 0 : i32
    %eq3A_115 = arith.cmpi eq, %jit3A_113, %eq3A_114 : i32
    %jit3A_116 = arith.constant 1 : i32
    %select_n3A_117 = arith.select %eq3A_115, %jit3A_116, %jit3A_113 : i32
    %rem3A_118 = vector.broadcast %select_n3A_117 : i32 to vector<16xi32>
    %rem3A_119 = arith.remsi %add3A_112, %rem3A_118 : vector<16xi32>
    %ne3A_120 = arith.constant 0 : i32
    %ne3A_121 = vector.broadcast %ne3A_120 : i32 to vector<16xi32>
    %ne3A_122 = arith.cmpi ne, %rem3A_119, %ne3A_121 : vector<16xi32>
    %lt3A_123 = arith.constant 0 : i32
    %lt3A_124 = vector.broadcast %lt3A_123 : i32 to vector<16xi32>
    %lt3A_125 = arith.cmpi slt, %rem3A_119, %lt3A_124 : vector<16xi32>
    %lt3A_126 = arith.constant 0 : i32
    %lt3A_127 = arith.cmpi slt, %select_n3A_117, %lt3A_126 : i32
    %ne3A_128 = vector.broadcast %lt3A_127 : i1 to vector<16xi1>
    %ne3A_129 = vector.broadcast %ne3A_128 : vector<16xi1> to vector<16xi1>
    %ne3A_130 = arith.xori %lt3A_125, %ne3A_129 : vector<16xi1>
    %and3A_131 = arith.andi %ne3A_130, %ne3A_122 : vector<16xi1>
    %add3A_132 = vector.broadcast %select_n3A_117 : i32 to vector<16xi32>
    %add3A_133 = arith.addi %rem3A_119, %add3A_132 : vector<16xi32>
    %select_n3A_134 = arith.select %and3A_131, %add3A_133, %rem3A_119 : vector<16xi1>, vector<16xi32>
    %broadcast_in_dim3A_135 = vector.shape_cast %select_n3A_134 : vector<16xi32> to vector<16x1xi32>
    %gather3A_136 = vector.shape_cast %broadcast_in_dim3A_135 : vector<16x1xi32> to vector<16xi32>
    %gather3A_137 = tpu.dynamic_gather %add3A_109[%gather3A_136] in [0] : vector<16xi32>, vector<16xi32> -> vector<16xi32>
    %add3A_138 = arith.addi %add3A_109, %gather3A_137 : vector<16xi32>
    %select_n3A_139 = arith.select %eq3A_30, %add3A_138, %broadcast_in_dim3A_28 : vector<16xi1>, vector<16xi32>
    %eq3A_140 = arith.constant 1 : i32
    %eq3A_141 = vector.broadcast %eq3A_140 : i32 to vector<16xi32>
    %eq3A_142 = arith.cmpi eq, %iota3A, %eq3A_141 : vector<16xi32>
    %add3A_143 = arith.constant 8 : i32
    %add3A_144 = vector.broadcast %add3A_143 : i32 to vector<16xi32>
    %add3A_145 = arith.addi %iota3A, %add3A_144 : vector<16xi32>
    %jit3A_146 = arith.constant 16 : i32
    %eq3A_147 = arith.constant 0 : i32
    %eq3A_148 = arith.cmpi eq, %jit3A_146, %eq3A_147 : i32
    %jit3A_149 = arith.constant 1 : i32
    %select_n3A_150 = arith.select %eq3A_148, %jit3A_149, %jit3A_146 : i32
    %rem3A_151 = vector.broadcast %select_n3A_150 : i32 to vector<16xi32>
    %rem3A_152 = arith.remsi %add3A_145, %rem3A_151 : vector<16xi32>
    %ne3A_153 = arith.constant 0 : i32
    %ne3A_154 = vector.broadcast %ne3A_153 : i32 to vector<16xi32>
    %ne3A_155 = arith.cmpi ne, %rem3A_152, %ne3A_154 : vector<16xi32>
    %lt3A_156 = arith.constant 0 : i32
    %lt3A_157 = vector.broadcast %lt3A_156 : i32 to vector<16xi32>
    %lt3A_158 = arith.cmpi slt, %rem3A_152, %lt3A_157 : vector<16xi32>
    %lt3A_159 = arith.constant 0 : i32
    %lt3A_160 = arith.cmpi slt, %select_n3A_150, %lt3A_159 : i32
    %ne3A_161 = vector.broadcast %lt3A_160 : i1 to vector<16xi1>
    %ne3A_162 = vector.broadcast %ne3A_161 : vector<16xi1> to vector<16xi1>
    %ne3A_163 = arith.xori %lt3A_158, %ne3A_162 : vector<16xi1>
    %and3A_164 = arith.andi %ne3A_163, %ne3A_155 : vector<16xi1>
    %add3A_165 = vector.broadcast %select_n3A_150 : i32 to vector<16xi32>
    %add3A_166 = arith.addi %rem3A_152, %add3A_165 : vector<16xi32>
    %select_n3A_167 = arith.select %and3A_164, %add3A_166, %rem3A_152 : vector<16xi1>, vector<16xi32>
    %broadcast_in_dim3A_168 = vector.shape_cast %select_n3A_167 : vector<16xi32> to vector<16x1xi32>
    %gather3A_169 = vector.shape_cast %broadcast_in_dim3A_168 : vector<16x1xi32> to vector<16xi32>
    %gather3A_170 = tpu.dynamic_gather %scan3A_25#1[%gather3A_169] in [0] : vector<16xi32>, vector<16xi32> -> vector<16xi32>
    %add3A_171 = arith.addi %scan3A_25#1, %gather3A_170 : vector<16xi32>
    %add3A_172 = arith.constant 4 : i32
    %add3A_173 = vector.broadcast %add3A_172 : i32 to vector<16xi32>
    %add3A_174 = arith.addi %iota3A, %add3A_173 : vector<16xi32>
    %jit3A_175 = arith.constant 16 : i32
    %eq3A_176 = arith.constant 0 : i32
    %eq3A_177 = arith.cmpi eq, %jit3A_175, %eq3A_176 : i32
    %jit3A_178 = arith.constant 1 : i32
    %select_n3A_179 = arith.select %eq3A_177, %jit3A_178, %jit3A_175 : i32
    %rem3A_180 = vector.broadcast %select_n3A_179 : i32 to vector<16xi32>
    %rem3A_181 = arith.remsi %add3A_174, %rem3A_180 : vector<16xi32>
    %ne3A_182 = arith.constant 0 : i32
    %ne3A_183 = vector.broadcast %ne3A_182 : i32 to vector<16xi32>
    %ne3A_184 = arith.cmpi ne, %rem3A_181, %ne3A_183 : vector<16xi32>
    %lt3A_185 = arith.constant 0 : i32
    %lt3A_186 = vector.broadcast %lt3A_185 : i32 to vector<16xi32>
    %lt3A_187 = arith.cmpi slt, %rem3A_181, %lt3A_186 : vector<16xi32>
    %lt3A_188 = arith.constant 0 : i32
    %lt3A_189 = arith.cmpi slt, %select_n3A_179, %lt3A_188 : i32
    %ne3A_190 = vector.broadcast %lt3A_189 : i1 to vector<16xi1>
    %ne3A_191 = vector.broadcast %ne3A_190 : vector<16xi1> to vector<16xi1>
    %ne3A_192 = arith.xori %lt3A_187, %ne3A_191 : vector<16xi1>
    %and3A_193 = arith.andi %ne3A_192, %ne3A_184 : vector<16xi1>
    %add3A_194 = vector.broadcast %select_n3A_179 : i32 to vector<16xi32>
    %add3A_195 = arith.addi %rem3A_181, %add3A_194 : vector<16xi32>
    %select_n3A_196 = arith.select %and3A_193, %add3A_195, %rem3A_181 : vector<16xi1>, vector<16xi32>
    %broadcast_in_dim3A_197 = vector.shape_cast %select_n3A_196 : vector<16xi32> to vector<16x1xi32>
    %gather3A_198 = vector.shape_cast %broadcast_in_dim3A_197 : vector<16x1xi32> to vector<16xi32>
    %gather3A_199 = tpu.dynamic_gather %add3A_171[%gather3A_198] in [0] : vector<16xi32>, vector<16xi32> -> vector<16xi32>
    %add3A_200 = arith.addi %add3A_171, %gather3A_199 : vector<16xi32>
    %add3A_201 = arith.constant 2 : i32
    %add3A_202 = vector.broadcast %add3A_201 : i32 to vector<16xi32>
    %add3A_203 = arith.addi %iota3A, %add3A_202 : vector<16xi32>
    %jit3A_204 = arith.constant 16 : i32
    %eq3A_205 = arith.constant 0 : i32
    %eq3A_206 = arith.cmpi eq, %jit3A_204, %eq3A_205 : i32
    %jit3A_207 = arith.constant 1 : i32
    %select_n3A_208 = arith.select %eq3A_206, %jit3A_207, %jit3A_204 : i32
    %rem3A_209 = vector.broadcast %select_n3A_208 : i32 to vector<16xi32>
    %rem3A_210 = arith.remsi %add3A_203, %rem3A_209 : vector<16xi32>
    %ne3A_211 = arith.constant 0 : i32
    %ne3A_212 = vector.broadcast %ne3A_211 : i32 to vector<16xi32>
    %ne3A_213 = arith.cmpi ne, %rem3A_210, %ne3A_212 : vector<16xi32>
    %lt3A_214 = arith.constant 0 : i32
    %lt3A_215 = vector.broadcast %lt3A_214 : i32 to vector<16xi32>
    %lt3A_216 = arith.cmpi slt, %rem3A_210, %lt3A_215 : vector<16xi32>
    %lt3A_217 = arith.constant 0 : i32
    %lt3A_218 = arith.cmpi slt, %select_n3A_208, %lt3A_217 : i32
    %ne3A_219 = vector.broadcast %lt3A_218 : i1 to vector<16xi1>
    %ne3A_220 = vector.broadcast %ne3A_219 : vector<16xi1> to vector<16xi1>
    %ne3A_221 = arith.xori %lt3A_216, %ne3A_220 : vector<16xi1>
    %and3A_222 = arith.andi %ne3A_221, %ne3A_213 : vector<16xi1>
    %add3A_223 = vector.broadcast %select_n3A_208 : i32 to vector<16xi32>
    %add3A_224 = arith.addi %rem3A_210, %add3A_223 : vector<16xi32>
    %select_n3A_225 = arith.select %and3A_222, %add3A_224, %rem3A_210 : vector<16xi1>, vector<16xi32>
    %broadcast_in_dim3A_226 = vector.shape_cast %select_n3A_225 : vector<16xi32> to vector<16x1xi32>
    %gather3A_227 = vector.shape_cast %broadcast_in_dim3A_226 : vector<16x1xi32> to vector<16xi32>
    %gather3A_228 = tpu.dynamic_gather %add3A_200[%gather3A_227] in [0] : vector<16xi32>, vector<16xi32> -> vector<16xi32>
    %add3A_229 = arith.addi %add3A_200, %gather3A_228 : vector<16xi32>
    %add3A_230 = arith.constant 1 : i32
    %add3A_231 = vector.broadcast %add3A_230 : i32 to vector<16xi32>
    %add3A_232 = arith.addi %iota3A, %add3A_231 : vector<16xi32>
    %jit3A_233 = arith.constant 16 : i32
    %eq3A_234 = arith.constant 0 : i32
    %eq3A_235 = arith.cmpi eq, %jit3A_233, %eq3A_234 : i32
    %jit3A_236 = arith.constant 1 : i32
    %select_n3A_237 = arith.select %eq3A_235, %jit3A_236, %jit3A_233 : i32
    %rem3A_238 = vector.broadcast %select_n3A_237 : i32 to vector<16xi32>
    %rem3A_239 = arith.remsi %add3A_232, %rem3A_238 : vector<16xi32>
    %ne3A_240 = arith.constant 0 : i32
    %ne3A_241 = vector.broadcast %ne3A_240 : i32 to vector<16xi32>
    %ne3A_242 = arith.cmpi ne, %rem3A_239, %ne3A_241 : vector<16xi32>
    %lt3A_243 = arith.constant 0 : i32
    %lt3A_244 = vector.broadcast %lt3A_243 : i32 to vector<16xi32>
    %lt3A_245 = arith.cmpi slt, %rem3A_239, %lt3A_244 : vector<16xi32>
    %lt3A_246 = arith.constant 0 : i32
    %lt3A_247 = arith.cmpi slt, %select_n3A_237, %lt3A_246 : i32
    %ne3A_248 = vector.broadcast %lt3A_247 : i1 to vector<16xi1>
    %ne3A_249 = vector.broadcast %ne3A_248 : vector<16xi1> to vector<16xi1>
    %ne3A_250 = arith.xori %lt3A_245, %ne3A_249 : vector<16xi1>
    %and3A_251 = arith.andi %ne3A_250, %ne3A_242 : vector<16xi1>
    %add3A_252 = vector.broadcast %select_n3A_237 : i32 to vector<16xi32>
    %add3A_253 = arith.addi %rem3A_239, %add3A_252 : vector<16xi32>
    %select_n3A_254 = arith.select %and3A_251, %add3A_253, %rem3A_239 : vector<16xi1>, vector<16xi32>
    %broadcast_in_dim3A_255 = vector.shape_cast %select_n3A_254 : vector<16xi32> to vector<16x1xi32>
    %gather3A_256 = vector.shape_cast %broadcast_in_dim3A_255 : vector<16x1xi32> to vector<16xi32>
    %gather3A_257 = tpu.dynamic_gather %add3A_229[%gather3A_256] in [0] : vector<16xi32>, vector<16xi32> -> vector<16xi32>
    %add3A_258 = arith.addi %add3A_229, %gather3A_257 : vector<16xi32>
    %select_n3A_259 = arith.select %eq3A_142, %add3A_258, %select_n3A_139 : vector<16xi1>, vector<16xi32>
    %eq3A_260 = arith.constant 2 : i32
    %eq3A_261 = vector.broadcast %eq3A_260 : i32 to vector<16xi32>
    %eq3A_262 = arith.cmpi eq, %iota3A, %eq3A_261 : vector<16xi32>
    %add3A_263 = arith.constant 8 : i32
    %add3A_264 = vector.broadcast %add3A_263 : i32 to vector<16xi32>
    %add3A_265 = arith.addi %iota3A, %add3A_264 : vector<16xi32>
    %jit3A_266 = arith.constant 16 : i32
    %eq3A_267 = arith.constant 0 : i32
    %eq3A_268 = arith.cmpi eq, %jit3A_266, %eq3A_267 : i32
    %jit3A_269 = arith.constant 1 : i32
    %select_n3A_270 = arith.select %eq3A_268, %jit3A_269, %jit3A_266 : i32
    %rem3A_271 = vector.broadcast %select_n3A_270 : i32 to vector<16xi32>
    %rem3A_272 = arith.remsi %add3A_265, %rem3A_271 : vector<16xi32>
    %ne3A_273 = arith.constant 0 : i32
    %ne3A_274 = vector.broadcast %ne3A_273 : i32 to vector<16xi32>
    %ne3A_275 = arith.cmpi ne, %rem3A_272, %ne3A_274 : vector<16xi32>
    %lt3A_276 = arith.constant 0 : i32
    %lt3A_277 = vector.broadcast %lt3A_276 : i32 to vector<16xi32>
    %lt3A_278 = arith.cmpi slt, %rem3A_272, %lt3A_277 : vector<16xi32>
    %lt3A_279 = arith.constant 0 : i32
    %lt3A_280 = arith.cmpi slt, %select_n3A_270, %lt3A_279 : i32
    %ne3A_281 = vector.broadcast %lt3A_280 : i1 to vector<16xi1>
    %ne3A_282 = vector.broadcast %ne3A_281 : vector<16xi1> to vector<16xi1>
    %ne3A_283 = arith.xori %lt3A_278, %ne3A_282 : vector<16xi1>
    %and3A_284 = arith.andi %ne3A_283, %ne3A_275 : vector<16xi1>
    %add3A_285 = vector.broadcast %select_n3A_270 : i32 to vector<16xi32>
    %add3A_286 = arith.addi %rem3A_272, %add3A_285 : vector<16xi32>
    %select_n3A_287 = arith.select %and3A_284, %add3A_286, %rem3A_272 : vector<16xi1>, vector<16xi32>
    %broadcast_in_dim3A_288 = vector.shape_cast %select_n3A_287 : vector<16xi32> to vector<16x1xi32>
    %gather3A_289 = vector.shape_cast %broadcast_in_dim3A_288 : vector<16x1xi32> to vector<16xi32>
    %gather3A_290 = tpu.dynamic_gather %scan3A_25#2[%gather3A_289] in [0] : vector<16xi32>, vector<16xi32> -> vector<16xi32>
    %add3A_291 = arith.addi %scan3A_25#2, %gather3A_290 : vector<16xi32>
    %add3A_292 = arith.constant 4 : i32
    %add3A_293 = vector.broadcast %add3A_292 : i32 to vector<16xi32>
    %add3A_294 = arith.addi %iota3A, %add3A_293 : vector<16xi32>
    %jit3A_295 = arith.constant 16 : i32
    %eq3A_296 = arith.constant 0 : i32
    %eq3A_297 = arith.cmpi eq, %jit3A_295, %eq3A_296 : i32
    %jit3A_298 = arith.constant 1 : i32
    %select_n3A_299 = arith.select %eq3A_297, %jit3A_298, %jit3A_295 : i32
    %rem3A_300 = vector.broadcast %select_n3A_299 : i32 to vector<16xi32>
    %rem3A_301 = arith.remsi %add3A_294, %rem3A_300 : vector<16xi32>
    %ne3A_302 = arith.constant 0 : i32
    %ne3A_303 = vector.broadcast %ne3A_302 : i32 to vector<16xi32>
    %ne3A_304 = arith.cmpi ne, %rem3A_301, %ne3A_303 : vector<16xi32>
    %lt3A_305 = arith.constant 0 : i32
    %lt3A_306 = vector.broadcast %lt3A_305 : i32 to vector<16xi32>
    %lt3A_307 = arith.cmpi slt, %rem3A_301, %lt3A_306 : vector<16xi32>
    %lt3A_308 = arith.constant 0 : i32
    %lt3A_309 = arith.cmpi slt, %select_n3A_299, %lt3A_308 : i32
    %ne3A_310 = vector.broadcast %lt3A_309 : i1 to vector<16xi1>
    %ne3A_311 = vector.broadcast %ne3A_310 : vector<16xi1> to vector<16xi1>
    %ne3A_312 = arith.xori %lt3A_307, %ne3A_311 : vector<16xi1>
    %and3A_313 = arith.andi %ne3A_312, %ne3A_304 : vector<16xi1>
    %add3A_314 = vector.broadcast %select_n3A_299 : i32 to vector<16xi32>
    %add3A_315 = arith.addi %rem3A_301, %add3A_314 : vector<16xi32>
    %select_n3A_316 = arith.select %and3A_313, %add3A_315, %rem3A_301 : vector<16xi1>, vector<16xi32>
    %broadcast_in_dim3A_317 = vector.shape_cast %select_n3A_316 : vector<16xi32> to vector<16x1xi32>
    %gather3A_318 = vector.shape_cast %broadcast_in_dim3A_317 : vector<16x1xi32> to vector<16xi32>
    %gather3A_319 = tpu.dynamic_gather %add3A_291[%gather3A_318] in [0] : vector<16xi32>, vector<16xi32> -> vector<16xi32>
    %add3A_320 = arith.addi %add3A_291, %gather3A_319 : vector<16xi32>
    %add3A_321 = arith.constant 2 : i32
    %add3A_322 = vector.broadcast %add3A_321 : i32 to vector<16xi32>
    %add3A_323 = arith.addi %iota3A, %add3A_322 : vector<16xi32>
    %jit3A_324 = arith.constant 16 : i32
    %eq3A_325 = arith.constant 0 : i32
    %eq3A_326 = arith.cmpi eq, %jit3A_324, %eq3A_325 : i32
    %jit3A_327 = arith.constant 1 : i32
    %select_n3A_328 = arith.select %eq3A_326, %jit3A_327, %jit3A_324 : i32
    %rem3A_329 = vector.broadcast %select_n3A_328 : i32 to vector<16xi32>
    %rem3A_330 = arith.remsi %add3A_323, %rem3A_329 : vector<16xi32>
    %ne3A_331 = arith.constant 0 : i32
    %ne3A_332 = vector.broadcast %ne3A_331 : i32 to vector<16xi32>
    %ne3A_333 = arith.cmpi ne, %rem3A_330, %ne3A_332 : vector<16xi32>
    %lt3A_334 = arith.constant 0 : i32
    %lt3A_335 = vector.broadcast %lt3A_334 : i32 to vector<16xi32>
    %lt3A_336 = arith.cmpi slt, %rem3A_330, %lt3A_335 : vector<16xi32>
    %lt3A_337 = arith.constant 0 : i32
    %lt3A_338 = arith.cmpi slt, %select_n3A_328, %lt3A_337 : i32
    %ne3A_339 = vector.broadcast %lt3A_338 : i1 to vector<16xi1>
    %ne3A_340 = vector.broadcast %ne3A_339 : vector<16xi1> to vector<16xi1>
    %ne3A_341 = arith.xori %lt3A_336, %ne3A_340 : vector<16xi1>
    %and3A_342 = arith.andi %ne3A_341, %ne3A_333 : vector<16xi1>
    %add3A_343 = vector.broadcast %select_n3A_328 : i32 to vector<16xi32>
    %add3A_344 = arith.addi %rem3A_330, %add3A_343 : vector<16xi32>
    %select_n3A_345 = arith.select %and3A_342, %add3A_344, %rem3A_330 : vector<16xi1>, vector<16xi32>
    %broadcast_in_dim3A_346 = vector.shape_cast %select_n3A_345 : vector<16xi32> to vector<16x1xi32>
    %gather3A_347 = vector.shape_cast %broadcast_in_dim3A_346 : vector<16x1xi32> to vector<16xi32>
    %gather3A_348 = tpu.dynamic_gather %add3A_320[%gather3A_347] in [0] : vector<16xi32>, vector<16xi32> -> vector<16xi32>
    %add3A_349 = arith.addi %add3A_320, %gather3A_348 : vector<16xi32>
    %add3A_350 = arith.constant 1 : i32
    %add3A_351 = vector.broadcast %add3A_350 : i32 to vector<16xi32>
    %add3A_352 = arith.addi %iota3A, %add3A_351 : vector<16xi32>
    %jit3A_353 = arith.constant 16 : i32
    %eq3A_354 = arith.constant 0 : i32
    %eq3A_355 = arith.cmpi eq, %jit3A_353, %eq3A_354 : i32
    %jit3A_356 = arith.constant 1 : i32
    %select_n3A_357 = arith.select %eq3A_355, %jit3A_356, %jit3A_353 : i32
    %rem3A_358 = vector.broadcast %select_n3A_357 : i32 to vector<16xi32>
    %rem3A_359 = arith.remsi %add3A_352, %rem3A_358 : vector<16xi32>
    %ne3A_360 = arith.constant 0 : i32
    %ne3A_361 = vector.broadcast %ne3A_360 : i32 to vector<16xi32>
    %ne3A_362 = arith.cmpi ne, %rem3A_359, %ne3A_361 : vector<16xi32>
    %lt3A_363 = arith.constant 0 : i32
    %lt3A_364 = vector.broadcast %lt3A_363 : i32 to vector<16xi32>
    %lt3A_365 = arith.cmpi slt, %rem3A_359, %lt3A_364 : vector<16xi32>
    %lt3A_366 = arith.constant 0 : i32
    %lt3A_367 = arith.cmpi slt, %select_n3A_357, %lt3A_366 : i32
    %ne3A_368 = vector.broadcast %lt3A_367 : i1 to vector<16xi1>
    %ne3A_369 = vector.broadcast %ne3A_368 : vector<16xi1> to vector<16xi1>
    %ne3A_370 = arith.xori %lt3A_365, %ne3A_369 : vector<16xi1>
    %and3A_371 = arith.andi %ne3A_370, %ne3A_362 : vector<16xi1>
    %add3A_372 = vector.broadcast %select_n3A_357 : i32 to vector<16xi32>
    %add3A_373 = arith.addi %rem3A_359, %add3A_372 : vector<16xi32>
    %select_n3A_374 = arith.select %and3A_371, %add3A_373, %rem3A_359 : vector<16xi1>, vector<16xi32>
    %broadcast_in_dim3A_375 = vector.shape_cast %select_n3A_374 : vector<16xi32> to vector<16x1xi32>
    %gather3A_376 = vector.shape_cast %broadcast_in_dim3A_375 : vector<16x1xi32> to vector<16xi32>
    %gather3A_377 = tpu.dynamic_gather %add3A_349[%gather3A_376] in [0] : vector<16xi32>, vector<16xi32> -> vector<16xi32>
    %add3A_378 = arith.addi %add3A_349, %gather3A_377 : vector<16xi32>
    %select_n3A_379 = arith.select %eq3A_262, %add3A_378, %select_n3A_259 : vector<16xi1>, vector<16xi32>
    %eq3A_380 = arith.constant 3 : i32
    %eq3A_381 = vector.broadcast %eq3A_380 : i32 to vector<16xi32>
    %eq3A_382 = arith.cmpi eq, %iota3A, %eq3A_381 : vector<16xi32>
    %add3A_383 = arith.constant 8 : i32
    %add3A_384 = vector.broadcast %add3A_383 : i32 to vector<16xi32>
    %add3A_385 = arith.addi %iota3A, %add3A_384 : vector<16xi32>
    %jit3A_386 = arith.constant 16 : i32
    %eq3A_387 = arith.constant 0 : i32
    %eq3A_388 = arith.cmpi eq, %jit3A_386, %eq3A_387 : i32
    %jit3A_389 = arith.constant 1 : i32
    %select_n3A_390 = arith.select %eq3A_388, %jit3A_389, %jit3A_386 : i32
    %rem3A_391 = vector.broadcast %select_n3A_390 : i32 to vector<16xi32>
    %rem3A_392 = arith.remsi %add3A_385, %rem3A_391 : vector<16xi32>
    %ne3A_393 = arith.constant 0 : i32
    %ne3A_394 = vector.broadcast %ne3A_393 : i32 to vector<16xi32>
    %ne3A_395 = arith.cmpi ne, %rem3A_392, %ne3A_394 : vector<16xi32>
    %lt3A_396 = arith.constant 0 : i32
    %lt3A_397 = vector.broadcast %lt3A_396 : i32 to vector<16xi32>
    %lt3A_398 = arith.cmpi slt, %rem3A_392, %lt3A_397 : vector<16xi32>
    %lt3A_399 = arith.constant 0 : i32
    %lt3A_400 = arith.cmpi slt, %select_n3A_390, %lt3A_399 : i32
    %ne3A_401 = vector.broadcast %lt3A_400 : i1 to vector<16xi1>
    %ne3A_402 = vector.broadcast %ne3A_401 : vector<16xi1> to vector<16xi1>
    %ne3A_403 = arith.xori %lt3A_398, %ne3A_402 : vector<16xi1>
    %and3A_404 = arith.andi %ne3A_403, %ne3A_395 : vector<16xi1>
    %add3A_405 = vector.broadcast %select_n3A_390 : i32 to vector<16xi32>
    %add3A_406 = arith.addi %rem3A_392, %add3A_405 : vector<16xi32>
    %select_n3A_407 = arith.select %and3A_404, %add3A_406, %rem3A_392 : vector<16xi1>, vector<16xi32>
    %broadcast_in_dim3A_408 = vector.shape_cast %select_n3A_407 : vector<16xi32> to vector<16x1xi32>
    %gather3A_409 = vector.shape_cast %broadcast_in_dim3A_408 : vector<16x1xi32> to vector<16xi32>
    %gather3A_410 = tpu.dynamic_gather %scan3A_25#3[%gather3A_409] in [0] : vector<16xi32>, vector<16xi32> -> vector<16xi32>
    %add3A_411 = arith.addi %scan3A_25#3, %gather3A_410 : vector<16xi32>
    %add3A_412 = arith.constant 4 : i32
    %add3A_413 = vector.broadcast %add3A_412 : i32 to vector<16xi32>
    %add3A_414 = arith.addi %iota3A, %add3A_413 : vector<16xi32>
    %jit3A_415 = arith.constant 16 : i32
    %eq3A_416 = arith.constant 0 : i32
    %eq3A_417 = arith.cmpi eq, %jit3A_415, %eq3A_416 : i32
    %jit3A_418 = arith.constant 1 : i32
    %select_n3A_419 = arith.select %eq3A_417, %jit3A_418, %jit3A_415 : i32
    %rem3A_420 = vector.broadcast %select_n3A_419 : i32 to vector<16xi32>
    %rem3A_421 = arith.remsi %add3A_414, %rem3A_420 : vector<16xi32>
    %ne3A_422 = arith.constant 0 : i32
    %ne3A_423 = vector.broadcast %ne3A_422 : i32 to vector<16xi32>
    %ne3A_424 = arith.cmpi ne, %rem3A_421, %ne3A_423 : vector<16xi32>
    %lt3A_425 = arith.constant 0 : i32
    %lt3A_426 = vector.broadcast %lt3A_425 : i32 to vector<16xi32>
    %lt3A_427 = arith.cmpi slt, %rem3A_421, %lt3A_426 : vector<16xi32>
    %lt3A_428 = arith.constant 0 : i32
    %lt3A_429 = arith.cmpi slt, %select_n3A_419, %lt3A_428 : i32
    %ne3A_430 = vector.broadcast %lt3A_429 : i1 to vector<16xi1>
    %ne3A_431 = vector.broadcast %ne3A_430 : vector<16xi1> to vector<16xi1>
    %ne3A_432 = arith.xori %lt3A_427, %ne3A_431 : vector<16xi1>
    %and3A_433 = arith.andi %ne3A_432, %ne3A_424 : vector<16xi1>
    %add3A_434 = vector.broadcast %select_n3A_419 : i32 to vector<16xi32>
    %add3A_435 = arith.addi %rem3A_421, %add3A_434 : vector<16xi32>
    %select_n3A_436 = arith.select %and3A_433, %add3A_435, %rem3A_421 : vector<16xi1>, vector<16xi32>
    %broadcast_in_dim3A_437 = vector.shape_cast %select_n3A_436 : vector<16xi32> to vector<16x1xi32>
    %gather3A_438 = vector.shape_cast %broadcast_in_dim3A_437 : vector<16x1xi32> to vector<16xi32>
    %gather3A_439 = tpu.dynamic_gather %add3A_411[%gather3A_438] in [0] : vector<16xi32>, vector<16xi32> -> vector<16xi32>
    %add3A_440 = arith.addi %add3A_411, %gather3A_439 : vector<16xi32>
    %add3A_441 = arith.constant 2 : i32
    %add3A_442 = vector.broadcast %add3A_441 : i32 to vector<16xi32>
    %add3A_443 = arith.addi %iota3A, %add3A_442 : vector<16xi32>
    %jit3A_444 = arith.constant 16 : i32
    %eq3A_445 = arith.constant 0 : i32
    %eq3A_446 = arith.cmpi eq, %jit3A_444, %eq3A_445 : i32
    %jit3A_447 = arith.constant 1 : i32
    %select_n3A_448 = arith.select %eq3A_446, %jit3A_447, %jit3A_444 : i32
    %rem3A_449 = vector.broadcast %select_n3A_448 : i32 to vector<16xi32>
    %rem3A_450 = arith.remsi %add3A_443, %rem3A_449 : vector<16xi32>
    %ne3A_451 = arith.constant 0 : i32
    %ne3A_452 = vector.broadcast %ne3A_451 : i32 to vector<16xi32>
    %ne3A_453 = arith.cmpi ne, %rem3A_450, %ne3A_452 : vector<16xi32>
    %lt3A_454 = arith.constant 0 : i32
    %lt3A_455 = vector.broadcast %lt3A_454 : i32 to vector<16xi32>
    %lt3A_456 = arith.cmpi slt, %rem3A_450, %lt3A_455 : vector<16xi32>
    %lt3A_457 = arith.constant 0 : i32
    %lt3A_458 = arith.cmpi slt, %select_n3A_448, %lt3A_457 : i32
    %ne3A_459 = vector.broadcast %lt3A_458 : i1 to vector<16xi1>
    %ne3A_460 = vector.broadcast %ne3A_459 : vector<16xi1> to vector<16xi1>
    %ne3A_461 = arith.xori %lt3A_456, %ne3A_460 : vector<16xi1>
    %and3A_462 = arith.andi %ne3A_461, %ne3A_453 : vector<16xi1>
    %add3A_463 = vector.broadcast %select_n3A_448 : i32 to vector<16xi32>
    %add3A_464 = arith.addi %rem3A_450, %add3A_463 : vector<16xi32>
    %select_n3A_465 = arith.select %and3A_462, %add3A_464, %rem3A_450 : vector<16xi1>, vector<16xi32>
    %broadcast_in_dim3A_466 = vector.shape_cast %select_n3A_465 : vector<16xi32> to vector<16x1xi32>
    %gather3A_467 = vector.shape_cast %broadcast_in_dim3A_466 : vector<16x1xi32> to vector<16xi32>
    %gather3A_468 = tpu.dynamic_gather %add3A_440[%gather3A_467] in [0] : vector<16xi32>, vector<16xi32> -> vector<16xi32>
    %add3A_469 = arith.addi %add3A_440, %gather3A_468 : vector<16xi32>
    %add3A_470 = arith.constant 1 : i32
    %add3A_471 = vector.broadcast %add3A_470 : i32 to vector<16xi32>
    %add3A_472 = arith.addi %iota3A, %add3A_471 : vector<16xi32>
    %jit3A_473 = arith.constant 16 : i32
    %eq3A_474 = arith.constant 0 : i32
    %eq3A_475 = arith.cmpi eq, %jit3A_473, %eq3A_474 : i32
    %jit3A_476 = arith.constant 1 : i32
    %select_n3A_477 = arith.select %eq3A_475, %jit3A_476, %jit3A_473 : i32
    %rem3A_478 = vector.broadcast %select_n3A_477 : i32 to vector<16xi32>
    %rem3A_479 = arith.remsi %add3A_472, %rem3A_478 : vector<16xi32>
    %ne3A_480 = arith.constant 0 : i32
    %ne3A_481 = vector.broadcast %ne3A_480 : i32 to vector<16xi32>
    %ne3A_482 = arith.cmpi ne, %rem3A_479, %ne3A_481 : vector<16xi32>
    %lt3A_483 = arith.constant 0 : i32
    %lt3A_484 = vector.broadcast %lt3A_483 : i32 to vector<16xi32>
    %lt3A_485 = arith.cmpi slt, %rem3A_479, %lt3A_484 : vector<16xi32>
    %lt3A_486 = arith.constant 0 : i32
    %lt3A_487 = arith.cmpi slt, %select_n3A_477, %lt3A_486 : i32
    %ne3A_488 = vector.broadcast %lt3A_487 : i1 to vector<16xi1>
    %ne3A_489 = vector.broadcast %ne3A_488 : vector<16xi1> to vector<16xi1>
    %ne3A_490 = arith.xori %lt3A_485, %ne3A_489 : vector<16xi1>
    %and3A_491 = arith.andi %ne3A_490, %ne3A_482 : vector<16xi1>
    %add3A_492 = vector.broadcast %select_n3A_477 : i32 to vector<16xi32>
    %add3A_493 = arith.addi %rem3A_479, %add3A_492 : vector<16xi32>
    %select_n3A_494 = arith.select %and3A_491, %add3A_493, %rem3A_479 : vector<16xi1>, vector<16xi32>
    %broadcast_in_dim3A_495 = vector.shape_cast %select_n3A_494 : vector<16xi32> to vector<16x1xi32>
    %gather3A_496 = vector.shape_cast %broadcast_in_dim3A_495 : vector<16x1xi32> to vector<16xi32>
    %gather3A_497 = tpu.dynamic_gather %add3A_469[%gather3A_496] in [0] : vector<16xi32>, vector<16xi32> -> vector<16xi32>
    %add3A_498 = arith.addi %add3A_469, %gather3A_497 : vector<16xi32>
    %select_n3A_499 = arith.select %eq3A_382, %add3A_498, %select_n3A_379 : vector<16xi1>, vector<16xi32>
    %eq3A_500 = arith.constant 4 : i32
    %eq3A_501 = vector.broadcast %eq3A_500 : i32 to vector<16xi32>
    %eq3A_502 = arith.cmpi eq, %iota3A, %eq3A_501 : vector<16xi32>
    %add3A_503 = arith.constant 8 : i32
    %add3A_504 = vector.broadcast %add3A_503 : i32 to vector<16xi32>
    %add3A_505 = arith.addi %iota3A, %add3A_504 : vector<16xi32>
    %jit3A_506 = arith.constant 16 : i32
    %eq3A_507 = arith.constant 0 : i32
    %eq3A_508 = arith.cmpi eq, %jit3A_506, %eq3A_507 : i32
    %jit3A_509 = arith.constant 1 : i32
    %select_n3A_510 = arith.select %eq3A_508, %jit3A_509, %jit3A_506 : i32
    %rem3A_511 = vector.broadcast %select_n3A_510 : i32 to vector<16xi32>
    %rem3A_512 = arith.remsi %add3A_505, %rem3A_511 : vector<16xi32>
    %ne3A_513 = arith.constant 0 : i32
    %ne3A_514 = vector.broadcast %ne3A_513 : i32 to vector<16xi32>
    %ne3A_515 = arith.cmpi ne, %rem3A_512, %ne3A_514 : vector<16xi32>
    %lt3A_516 = arith.constant 0 : i32
    %lt3A_517 = vector.broadcast %lt3A_516 : i32 to vector<16xi32>
    %lt3A_518 = arith.cmpi slt, %rem3A_512, %lt3A_517 : vector<16xi32>
    %lt3A_519 = arith.constant 0 : i32
    %lt3A_520 = arith.cmpi slt, %select_n3A_510, %lt3A_519 : i32
    %ne3A_521 = vector.broadcast %lt3A_520 : i1 to vector<16xi1>
    %ne3A_522 = vector.broadcast %ne3A_521 : vector<16xi1> to vector<16xi1>
    %ne3A_523 = arith.xori %lt3A_518, %ne3A_522 : vector<16xi1>
    %and3A_524 = arith.andi %ne3A_523, %ne3A_515 : vector<16xi1>
    %add3A_525 = vector.broadcast %select_n3A_510 : i32 to vector<16xi32>
    %add3A_526 = arith.addi %rem3A_512, %add3A_525 : vector<16xi32>
    %select_n3A_527 = arith.select %and3A_524, %add3A_526, %rem3A_512 : vector<16xi1>, vector<16xi32>
    %broadcast_in_dim3A_528 = vector.shape_cast %select_n3A_527 : vector<16xi32> to vector<16x1xi32>
    %gather3A_529 = vector.shape_cast %broadcast_in_dim3A_528 : vector<16x1xi32> to vector<16xi32>
    %gather3A_530 = tpu.dynamic_gather %scan3A_25#4[%gather3A_529] in [0] : vector<16xi32>, vector<16xi32> -> vector<16xi32>
    %add3A_531 = arith.addi %scan3A_25#4, %gather3A_530 : vector<16xi32>
    %add3A_532 = arith.constant 4 : i32
    %add3A_533 = vector.broadcast %add3A_532 : i32 to vector<16xi32>
    %add3A_534 = arith.addi %iota3A, %add3A_533 : vector<16xi32>
    %jit3A_535 = arith.constant 16 : i32
    %eq3A_536 = arith.constant 0 : i32
    %eq3A_537 = arith.cmpi eq, %jit3A_535, %eq3A_536 : i32
    %jit3A_538 = arith.constant 1 : i32
    %select_n3A_539 = arith.select %eq3A_537, %jit3A_538, %jit3A_535 : i32
    %rem3A_540 = vector.broadcast %select_n3A_539 : i32 to vector<16xi32>
    %rem3A_541 = arith.remsi %add3A_534, %rem3A_540 : vector<16xi32>
    %ne3A_542 = arith.constant 0 : i32
    %ne3A_543 = vector.broadcast %ne3A_542 : i32 to vector<16xi32>
    %ne3A_544 = arith.cmpi ne, %rem3A_541, %ne3A_543 : vector<16xi32>
    %lt3A_545 = arith.constant 0 : i32
    %lt3A_546 = vector.broadcast %lt3A_545 : i32 to vector<16xi32>
    %lt3A_547 = arith.cmpi slt, %rem3A_541, %lt3A_546 : vector<16xi32>
    %lt3A_548 = arith.constant 0 : i32
    %lt3A_549 = arith.cmpi slt, %select_n3A_539, %lt3A_548 : i32
    %ne3A_550 = vector.broadcast %lt3A_549 : i1 to vector<16xi1>
    %ne3A_551 = vector.broadcast %ne3A_550 : vector<16xi1> to vector<16xi1>
    %ne3A_552 = arith.xori %lt3A_547, %ne3A_551 : vector<16xi1>
    %and3A_553 = arith.andi %ne3A_552, %ne3A_544 : vector<16xi1>
    %add3A_554 = vector.broadcast %select_n3A_539 : i32 to vector<16xi32>
    %add3A_555 = arith.addi %rem3A_541, %add3A_554 : vector<16xi32>
    %select_n3A_556 = arith.select %and3A_553, %add3A_555, %rem3A_541 : vector<16xi1>, vector<16xi32>
    %broadcast_in_dim3A_557 = vector.shape_cast %select_n3A_556 : vector<16xi32> to vector<16x1xi32>
    %gather3A_558 = vector.shape_cast %broadcast_in_dim3A_557 : vector<16x1xi32> to vector<16xi32>
    %gather3A_559 = tpu.dynamic_gather %add3A_531[%gather3A_558] in [0] : vector<16xi32>, vector<16xi32> -> vector<16xi32>
    %add3A_560 = arith.addi %add3A_531, %gather3A_559 : vector<16xi32>
    %add3A_561 = arith.constant 2 : i32
    %add3A_562 = vector.broadcast %add3A_561 : i32 to vector<16xi32>
    %add3A_563 = arith.addi %iota3A, %add3A_562 : vector<16xi32>
    %jit3A_564 = arith.constant 16 : i32
    %eq3A_565 = arith.constant 0 : i32
    %eq3A_566 = arith.cmpi eq, %jit3A_564, %eq3A_565 : i32
    %jit3A_567 = arith.constant 1 : i32
    %select_n3A_568 = arith.select %eq3A_566, %jit3A_567, %jit3A_564 : i32
    %rem3A_569 = vector.broadcast %select_n3A_568 : i32 to vector<16xi32>
    %rem3A_570 = arith.remsi %add3A_563, %rem3A_569 : vector<16xi32>
    %ne3A_571 = arith.constant 0 : i32
    %ne3A_572 = vector.broadcast %ne3A_571 : i32 to vector<16xi32>
    %ne3A_573 = arith.cmpi ne, %rem3A_570, %ne3A_572 : vector<16xi32>
    %lt3A_574 = arith.constant 0 : i32
    %lt3A_575 = vector.broadcast %lt3A_574 : i32 to vector<16xi32>
    %lt3A_576 = arith.cmpi slt, %rem3A_570, %lt3A_575 : vector<16xi32>
    %lt3A_577 = arith.constant 0 : i32
    %lt3A_578 = arith.cmpi slt, %select_n3A_568, %lt3A_577 : i32
    %ne3A_579 = vector.broadcast %lt3A_578 : i1 to vector<16xi1>
    %ne3A_580 = vector.broadcast %ne3A_579 : vector<16xi1> to vector<16xi1>
    %ne3A_581 = arith.xori %lt3A_576, %ne3A_580 : vector<16xi1>
    %and3A_582 = arith.andi %ne3A_581, %ne3A_573 : vector<16xi1>
    %add3A_583 = vector.broadcast %select_n3A_568 : i32 to vector<16xi32>
    %add3A_584 = arith.addi %rem3A_570, %add3A_583 : vector<16xi32>
    %select_n3A_585 = arith.select %and3A_582, %add3A_584, %rem3A_570 : vector<16xi1>, vector<16xi32>
    %broadcast_in_dim3A_586 = vector.shape_cast %select_n3A_585 : vector<16xi32> to vector<16x1xi32>
    %gather3A_587 = vector.shape_cast %broadcast_in_dim3A_586 : vector<16x1xi32> to vector<16xi32>
    %gather3A_588 = tpu.dynamic_gather %add3A_560[%gather3A_587] in [0] : vector<16xi32>, vector<16xi32> -> vector<16xi32>
    %add3A_589 = arith.addi %add3A_560, %gather3A_588 : vector<16xi32>
    %add3A_590 = arith.constant 1 : i32
    %add3A_591 = vector.broadcast %add3A_590 : i32 to vector<16xi32>
    %add3A_592 = arith.addi %iota3A, %add3A_591 : vector<16xi32>
    %jit3A_593 = arith.constant 16 : i32
    %eq3A_594 = arith.constant 0 : i32
    %eq3A_595 = arith.cmpi eq, %jit3A_593, %eq3A_594 : i32
    %jit3A_596 = arith.constant 1 : i32
    %select_n3A_597 = arith.select %eq3A_595, %jit3A_596, %jit3A_593 : i32
    %rem3A_598 = vector.broadcast %select_n3A_597 : i32 to vector<16xi32>
    %rem3A_599 = arith.remsi %add3A_592, %rem3A_598 : vector<16xi32>
    %ne3A_600 = arith.constant 0 : i32
    %ne3A_601 = vector.broadcast %ne3A_600 : i32 to vector<16xi32>
    %ne3A_602 = arith.cmpi ne, %rem3A_599, %ne3A_601 : vector<16xi32>
    %lt3A_603 = arith.constant 0 : i32
    %lt3A_604 = vector.broadcast %lt3A_603 : i32 to vector<16xi32>
    %lt3A_605 = arith.cmpi slt, %rem3A_599, %lt3A_604 : vector<16xi32>
    %lt3A_606 = arith.constant 0 : i32
    %lt3A_607 = arith.cmpi slt, %select_n3A_597, %lt3A_606 : i32
    %ne3A_608 = vector.broadcast %lt3A_607 : i1 to vector<16xi1>
    %ne3A_609 = vector.broadcast %ne3A_608 : vector<16xi1> to vector<16xi1>
    %ne3A_610 = arith.xori %lt3A_605, %ne3A_609 : vector<16xi1>
    %and3A_611 = arith.andi %ne3A_610, %ne3A_602 : vector<16xi1>
    %add3A_612 = vector.broadcast %select_n3A_597 : i32 to vector<16xi32>
    %add3A_613 = arith.addi %rem3A_599, %add3A_612 : vector<16xi32>
    %select_n3A_614 = arith.select %and3A_611, %add3A_613, %rem3A_599 : vector<16xi1>, vector<16xi32>
    %broadcast_in_dim3A_615 = vector.shape_cast %select_n3A_614 : vector<16xi32> to vector<16x1xi32>
    %gather3A_616 = vector.shape_cast %broadcast_in_dim3A_615 : vector<16x1xi32> to vector<16xi32>
    %gather3A_617 = tpu.dynamic_gather %add3A_589[%gather3A_616] in [0] : vector<16xi32>, vector<16xi32> -> vector<16xi32>
    %add3A_618 = arith.addi %add3A_589, %gather3A_617 : vector<16xi32>
    %select_n3A_619 = arith.select %eq3A_502, %add3A_618, %select_n3A_499 : vector<16xi1>, vector<16xi32>
    %eq3A_620 = arith.constant 5 : i32
    %eq3A_621 = vector.broadcast %eq3A_620 : i32 to vector<16xi32>
    %eq3A_622 = arith.cmpi eq, %iota3A, %eq3A_621 : vector<16xi32>
    %add3A_623 = arith.constant 8 : i32
    %add3A_624 = vector.broadcast %add3A_623 : i32 to vector<16xi32>
    %add3A_625 = arith.addi %iota3A, %add3A_624 : vector<16xi32>
    %jit3A_626 = arith.constant 16 : i32
    %eq3A_627 = arith.constant 0 : i32
    %eq3A_628 = arith.cmpi eq, %jit3A_626, %eq3A_627 : i32
    %jit3A_629 = arith.constant 1 : i32
    %select_n3A_630 = arith.select %eq3A_628, %jit3A_629, %jit3A_626 : i32
    %rem3A_631 = vector.broadcast %select_n3A_630 : i32 to vector<16xi32>
    %rem3A_632 = arith.remsi %add3A_625, %rem3A_631 : vector<16xi32>
    %ne3A_633 = arith.constant 0 : i32
    %ne3A_634 = vector.broadcast %ne3A_633 : i32 to vector<16xi32>
    %ne3A_635 = arith.cmpi ne, %rem3A_632, %ne3A_634 : vector<16xi32>
    %lt3A_636 = arith.constant 0 : i32
    %lt3A_637 = vector.broadcast %lt3A_636 : i32 to vector<16xi32>
    %lt3A_638 = arith.cmpi slt, %rem3A_632, %lt3A_637 : vector<16xi32>
    %lt3A_639 = arith.constant 0 : i32
    %lt3A_640 = arith.cmpi slt, %select_n3A_630, %lt3A_639 : i32
    %ne3A_641 = vector.broadcast %lt3A_640 : i1 to vector<16xi1>
    %ne3A_642 = vector.broadcast %ne3A_641 : vector<16xi1> to vector<16xi1>
    %ne3A_643 = arith.xori %lt3A_638, %ne3A_642 : vector<16xi1>
    %and3A_644 = arith.andi %ne3A_643, %ne3A_635 : vector<16xi1>
    %add3A_645 = vector.broadcast %select_n3A_630 : i32 to vector<16xi32>
    %add3A_646 = arith.addi %rem3A_632, %add3A_645 : vector<16xi32>
    %select_n3A_647 = arith.select %and3A_644, %add3A_646, %rem3A_632 : vector<16xi1>, vector<16xi32>
    %broadcast_in_dim3A_648 = vector.shape_cast %select_n3A_647 : vector<16xi32> to vector<16x1xi32>
    %gather3A_649 = vector.shape_cast %broadcast_in_dim3A_648 : vector<16x1xi32> to vector<16xi32>
    %gather3A_650 = tpu.dynamic_gather %scan3A_25#5[%gather3A_649] in [0] : vector<16xi32>, vector<16xi32> -> vector<16xi32>
    %add3A_651 = arith.addi %scan3A_25#5, %gather3A_650 : vector<16xi32>
    %add3A_652 = arith.constant 4 : i32
    %add3A_653 = vector.broadcast %add3A_652 : i32 to vector<16xi32>
    %add3A_654 = arith.addi %iota3A, %add3A_653 : vector<16xi32>
    %jit3A_655 = arith.constant 16 : i32
    %eq3A_656 = arith.constant 0 : i32
    %eq3A_657 = arith.cmpi eq, %jit3A_655, %eq3A_656 : i32
    %jit3A_658 = arith.constant 1 : i32
    %select_n3A_659 = arith.select %eq3A_657, %jit3A_658, %jit3A_655 : i32
    %rem3A_660 = vector.broadcast %select_n3A_659 : i32 to vector<16xi32>
    %rem3A_661 = arith.remsi %add3A_654, %rem3A_660 : vector<16xi32>
    %ne3A_662 = arith.constant 0 : i32
    %ne3A_663 = vector.broadcast %ne3A_662 : i32 to vector<16xi32>
    %ne3A_664 = arith.cmpi ne, %rem3A_661, %ne3A_663 : vector<16xi32>
    %lt3A_665 = arith.constant 0 : i32
    %lt3A_666 = vector.broadcast %lt3A_665 : i32 to vector<16xi32>
    %lt3A_667 = arith.cmpi slt, %rem3A_661, %lt3A_666 : vector<16xi32>
    %lt3A_668 = arith.constant 0 : i32
    %lt3A_669 = arith.cmpi slt, %select_n3A_659, %lt3A_668 : i32
    %ne3A_670 = vector.broadcast %lt3A_669 : i1 to vector<16xi1>
    %ne3A_671 = vector.broadcast %ne3A_670 : vector<16xi1> to vector<16xi1>
    %ne3A_672 = arith.xori %lt3A_667, %ne3A_671 : vector<16xi1>
    %and3A_673 = arith.andi %ne3A_672, %ne3A_664 : vector<16xi1>
    %add3A_674 = vector.broadcast %select_n3A_659 : i32 to vector<16xi32>
    %add3A_675 = arith.addi %rem3A_661, %add3A_674 : vector<16xi32>
    %select_n3A_676 = arith.select %and3A_673, %add3A_675, %rem3A_661 : vector<16xi1>, vector<16xi32>
    %broadcast_in_dim3A_677 = vector.shape_cast %select_n3A_676 : vector<16xi32> to vector<16x1xi32>
    %gather3A_678 = vector.shape_cast %broadcast_in_dim3A_677 : vector<16x1xi32> to vector<16xi32>
    %gather3A_679 = tpu.dynamic_gather %add3A_651[%gather3A_678] in [0] : vector<16xi32>, vector<16xi32> -> vector<16xi32>
    %add3A_680 = arith.addi %add3A_651, %gather3A_679 : vector<16xi32>
    %add3A_681 = arith.constant 2 : i32
    %add3A_682 = vector.broadcast %add3A_681 : i32 to vector<16xi32>
    %add3A_683 = arith.addi %iota3A, %add3A_682 : vector<16xi32>
    %jit3A_684 = arith.constant 16 : i32
    %eq3A_685 = arith.constant 0 : i32
    %eq3A_686 = arith.cmpi eq, %jit3A_684, %eq3A_685 : i32
    %jit3A_687 = arith.constant 1 : i32
    %select_n3A_688 = arith.select %eq3A_686, %jit3A_687, %jit3A_684 : i32
    %rem3A_689 = vector.broadcast %select_n3A_688 : i32 to vector<16xi32>
    %rem3A_690 = arith.remsi %add3A_683, %rem3A_689 : vector<16xi32>
    %ne3A_691 = arith.constant 0 : i32
    %ne3A_692 = vector.broadcast %ne3A_691 : i32 to vector<16xi32>
    %ne3A_693 = arith.cmpi ne, %rem3A_690, %ne3A_692 : vector<16xi32>
    %lt3A_694 = arith.constant 0 : i32
    %lt3A_695 = vector.broadcast %lt3A_694 : i32 to vector<16xi32>
    %lt3A_696 = arith.cmpi slt, %rem3A_690, %lt3A_695 : vector<16xi32>
    %lt3A_697 = arith.constant 0 : i32
    %lt3A_698 = arith.cmpi slt, %select_n3A_688, %lt3A_697 : i32
    %ne3A_699 = vector.broadcast %lt3A_698 : i1 to vector<16xi1>
    %ne3A_700 = vector.broadcast %ne3A_699 : vector<16xi1> to vector<16xi1>
    %ne3A_701 = arith.xori %lt3A_696, %ne3A_700 : vector<16xi1>
    %and3A_702 = arith.andi %ne3A_701, %ne3A_693 : vector<16xi1>
    %add3A_703 = vector.broadcast %select_n3A_688 : i32 to vector<16xi32>
    %add3A_704 = arith.addi %rem3A_690, %add3A_703 : vector<16xi32>
    %select_n3A_705 = arith.select %and3A_702, %add3A_704, %rem3A_690 : vector<16xi1>, vector<16xi32>
    %broadcast_in_dim3A_706 = vector.shape_cast %select_n3A_705 : vector<16xi32> to vector<16x1xi32>
    %gather3A_707 = vector.shape_cast %broadcast_in_dim3A_706 : vector<16x1xi32> to vector<16xi32>
    %gather3A_708 = tpu.dynamic_gather %add3A_680[%gather3A_707] in [0] : vector<16xi32>, vector<16xi32> -> vector<16xi32>
    %add3A_709 = arith.addi %add3A_680, %gather3A_708 : vector<16xi32>
    %add3A_710 = arith.constant 1 : i32
    %add3A_711 = vector.broadcast %add3A_710 : i32 to vector<16xi32>
    %add3A_712 = arith.addi %iota3A, %add3A_711 : vector<16xi32>
    %jit3A_713 = arith.constant 16 : i32
    %eq3A_714 = arith.constant 0 : i32
    %eq3A_715 = arith.cmpi eq, %jit3A_713, %eq3A_714 : i32
    %jit3A_716 = arith.constant 1 : i32
    %select_n3A_717 = arith.select %eq3A_715, %jit3A_716, %jit3A_713 : i32
    %rem3A_718 = vector.broadcast %select_n3A_717 : i32 to vector<16xi32>
    %rem3A_719 = arith.remsi %add3A_712, %rem3A_718 : vector<16xi32>
    %ne3A_720 = arith.constant 0 : i32
    %ne3A_721 = vector.broadcast %ne3A_720 : i32 to vector<16xi32>
    %ne3A_722 = arith.cmpi ne, %rem3A_719, %ne3A_721 : vector<16xi32>
    %lt3A_723 = arith.constant 0 : i32
    %lt3A_724 = vector.broadcast %lt3A_723 : i32 to vector<16xi32>
    %lt3A_725 = arith.cmpi slt, %rem3A_719, %lt3A_724 : vector<16xi32>
    %lt3A_726 = arith.constant 0 : i32
    %lt3A_727 = arith.cmpi slt, %select_n3A_717, %lt3A_726 : i32
    %ne3A_728 = vector.broadcast %lt3A_727 : i1 to vector<16xi1>
    %ne3A_729 = vector.broadcast %ne3A_728 : vector<16xi1> to vector<16xi1>
    %ne3A_730 = arith.xori %lt3A_725, %ne3A_729 : vector<16xi1>
    %and3A_731 = arith.andi %ne3A_730, %ne3A_722 : vector<16xi1>
    %add3A_732 = vector.broadcast %select_n3A_717 : i32 to vector<16xi32>
    %add3A_733 = arith.addi %rem3A_719, %add3A_732 : vector<16xi32>
    %select_n3A_734 = arith.select %and3A_731, %add3A_733, %rem3A_719 : vector<16xi1>, vector<16xi32>
    %broadcast_in_dim3A_735 = vector.shape_cast %select_n3A_734 : vector<16xi32> to vector<16x1xi32>
    %gather3A_736 = vector.shape_cast %broadcast_in_dim3A_735 : vector<16x1xi32> to vector<16xi32>
    %gather3A_737 = tpu.dynamic_gather %add3A_709[%gather3A_736] in [0] : vector<16xi32>, vector<16xi32> -> vector<16xi32>
    %add3A_738 = arith.addi %add3A_709, %gather3A_737 : vector<16xi32>
    %select_n3A_739 = arith.select %eq3A_622, %add3A_738, %select_n3A_619 : vector<16xi1>, vector<16xi32>
    %eq3A_740 = arith.constant 6 : i32
    %eq3A_741 = vector.broadcast %eq3A_740 : i32 to vector<16xi32>
    %eq3A_742 = arith.cmpi eq, %iota3A, %eq3A_741 : vector<16xi32>
    %add3A_743 = arith.constant 8 : i32
    %add3A_744 = vector.broadcast %add3A_743 : i32 to vector<16xi32>
    %add3A_745 = arith.addi %iota3A, %add3A_744 : vector<16xi32>
    %jit3A_746 = arith.constant 16 : i32
    %eq3A_747 = arith.constant 0 : i32
    %eq3A_748 = arith.cmpi eq, %jit3A_746, %eq3A_747 : i32
    %jit3A_749 = arith.constant 1 : i32
    %select_n3A_750 = arith.select %eq3A_748, %jit3A_749, %jit3A_746 : i32
    %rem3A_751 = vector.broadcast %select_n3A_750 : i32 to vector<16xi32>
    %rem3A_752 = arith.remsi %add3A_745, %rem3A_751 : vector<16xi32>
    %ne3A_753 = arith.constant 0 : i32
    %ne3A_754 = vector.broadcast %ne3A_753 : i32 to vector<16xi32>
    %ne3A_755 = arith.cmpi ne, %rem3A_752, %ne3A_754 : vector<16xi32>
    %lt3A_756 = arith.constant 0 : i32
    %lt3A_757 = vector.broadcast %lt3A_756 : i32 to vector<16xi32>
    %lt3A_758 = arith.cmpi slt, %rem3A_752, %lt3A_757 : vector<16xi32>
    %lt3A_759 = arith.constant 0 : i32
    %lt3A_760 = arith.cmpi slt, %select_n3A_750, %lt3A_759 : i32
    %ne3A_761 = vector.broadcast %lt3A_760 : i1 to vector<16xi1>
    %ne3A_762 = vector.broadcast %ne3A_761 : vector<16xi1> to vector<16xi1>
    %ne3A_763 = arith.xori %lt3A_758, %ne3A_762 : vector<16xi1>
    %and3A_764 = arith.andi %ne3A_763, %ne3A_755 : vector<16xi1>
    %add3A_765 = vector.broadcast %select_n3A_750 : i32 to vector<16xi32>
    %add3A_766 = arith.addi %rem3A_752, %add3A_765 : vector<16xi32>
    %select_n3A_767 = arith.select %and3A_764, %add3A_766, %rem3A_752 : vector<16xi1>, vector<16xi32>
    %broadcast_in_dim3A_768 = vector.shape_cast %select_n3A_767 : vector<16xi32> to vector<16x1xi32>
    %gather3A_769 = vector.shape_cast %broadcast_in_dim3A_768 : vector<16x1xi32> to vector<16xi32>
    %gather3A_770 = tpu.dynamic_gather %scan3A_25#6[%gather3A_769] in [0] : vector<16xi32>, vector<16xi32> -> vector<16xi32>
    %add3A_771 = arith.addi %scan3A_25#6, %gather3A_770 : vector<16xi32>
    %add3A_772 = arith.constant 4 : i32
    %add3A_773 = vector.broadcast %add3A_772 : i32 to vector<16xi32>
    %add3A_774 = arith.addi %iota3A, %add3A_773 : vector<16xi32>
    %jit3A_775 = arith.constant 16 : i32
    %eq3A_776 = arith.constant 0 : i32
    %eq3A_777 = arith.cmpi eq, %jit3A_775, %eq3A_776 : i32
    %jit3A_778 = arith.constant 1 : i32
    %select_n3A_779 = arith.select %eq3A_777, %jit3A_778, %jit3A_775 : i32
    %rem3A_780 = vector.broadcast %select_n3A_779 : i32 to vector<16xi32>
    %rem3A_781 = arith.remsi %add3A_774, %rem3A_780 : vector<16xi32>
    %ne3A_782 = arith.constant 0 : i32
    %ne3A_783 = vector.broadcast %ne3A_782 : i32 to vector<16xi32>
    %ne3A_784 = arith.cmpi ne, %rem3A_781, %ne3A_783 : vector<16xi32>
    %lt3A_785 = arith.constant 0 : i32
    %lt3A_786 = vector.broadcast %lt3A_785 : i32 to vector<16xi32>
    %lt3A_787 = arith.cmpi slt, %rem3A_781, %lt3A_786 : vector<16xi32>
    %lt3A_788 = arith.constant 0 : i32
    %lt3A_789 = arith.cmpi slt, %select_n3A_779, %lt3A_788 : i32
    %ne3A_790 = vector.broadcast %lt3A_789 : i1 to vector<16xi1>
    %ne3A_791 = vector.broadcast %ne3A_790 : vector<16xi1> to vector<16xi1>
    %ne3A_792 = arith.xori %lt3A_787, %ne3A_791 : vector<16xi1>
    %and3A_793 = arith.andi %ne3A_792, %ne3A_784 : vector<16xi1>
    %add3A_794 = vector.broadcast %select_n3A_779 : i32 to vector<16xi32>
    %add3A_795 = arith.addi %rem3A_781, %add3A_794 : vector<16xi32>
    %select_n3A_796 = arith.select %and3A_793, %add3A_795, %rem3A_781 : vector<16xi1>, vector<16xi32>
    %broadcast_in_dim3A_797 = vector.shape_cast %select_n3A_796 : vector<16xi32> to vector<16x1xi32>
    %gather3A_798 = vector.shape_cast %broadcast_in_dim3A_797 : vector<16x1xi32> to vector<16xi32>
    %gather3A_799 = tpu.dynamic_gather %add3A_771[%gather3A_798] in [0] : vector<16xi32>, vector<16xi32> -> vector<16xi32>
    %add3A_800 = arith.addi %add3A_771, %gather3A_799 : vector<16xi32>
    %add3A_801 = arith.constant 2 : i32
    %add3A_802 = vector.broadcast %add3A_801 : i32 to vector<16xi32>
    %add3A_803 = arith.addi %iota3A, %add3A_802 : vector<16xi32>
    %jit3A_804 = arith.constant 16 : i32
    %eq3A_805 = arith.constant 0 : i32
    %eq3A_806 = arith.cmpi eq, %jit3A_804, %eq3A_805 : i32
    %jit3A_807 = arith.constant 1 : i32
    %select_n3A_808 = arith.select %eq3A_806, %jit3A_807, %jit3A_804 : i32
    %rem3A_809 = vector.broadcast %select_n3A_808 : i32 to vector<16xi32>
    %rem3A_810 = arith.remsi %add3A_803, %rem3A_809 : vector<16xi32>
    %ne3A_811 = arith.constant 0 : i32
    %ne3A_812 = vector.broadcast %ne3A_811 : i32 to vector<16xi32>
    %ne3A_813 = arith.cmpi ne, %rem3A_810, %ne3A_812 : vector<16xi32>
    %lt3A_814 = arith.constant 0 : i32
    %lt3A_815 = vector.broadcast %lt3A_814 : i32 to vector<16xi32>
    %lt3A_816 = arith.cmpi slt, %rem3A_810, %lt3A_815 : vector<16xi32>
    %lt3A_817 = arith.constant 0 : i32
    %lt3A_818 = arith.cmpi slt, %select_n3A_808, %lt3A_817 : i32
    %ne3A_819 = vector.broadcast %lt3A_818 : i1 to vector<16xi1>
    %ne3A_820 = vector.broadcast %ne3A_819 : vector<16xi1> to vector<16xi1>
    %ne3A_821 = arith.xori %lt3A_816, %ne3A_820 : vector<16xi1>
    %and3A_822 = arith.andi %ne3A_821, %ne3A_813 : vector<16xi1>
    %add3A_823 = vector.broadcast %select_n3A_808 : i32 to vector<16xi32>
    %add3A_824 = arith.addi %rem3A_810, %add3A_823 : vector<16xi32>
    %select_n3A_825 = arith.select %and3A_822, %add3A_824, %rem3A_810 : vector<16xi1>, vector<16xi32>
    %broadcast_in_dim3A_826 = vector.shape_cast %select_n3A_825 : vector<16xi32> to vector<16x1xi32>
    %gather3A_827 = vector.shape_cast %broadcast_in_dim3A_826 : vector<16x1xi32> to vector<16xi32>
    %gather3A_828 = tpu.dynamic_gather %add3A_800[%gather3A_827] in [0] : vector<16xi32>, vector<16xi32> -> vector<16xi32>
    %add3A_829 = arith.addi %add3A_800, %gather3A_828 : vector<16xi32>
    %add3A_830 = arith.constant 1 : i32
    %add3A_831 = vector.broadcast %add3A_830 : i32 to vector<16xi32>
    %add3A_832 = arith.addi %iota3A, %add3A_831 : vector<16xi32>
    %jit3A_833 = arith.constant 16 : i32
    %eq3A_834 = arith.constant 0 : i32
    %eq3A_835 = arith.cmpi eq, %jit3A_833, %eq3A_834 : i32
    %jit3A_836 = arith.constant 1 : i32
    %select_n3A_837 = arith.select %eq3A_835, %jit3A_836, %jit3A_833 : i32
    %rem3A_838 = vector.broadcast %select_n3A_837 : i32 to vector<16xi32>
    %rem3A_839 = arith.remsi %add3A_832, %rem3A_838 : vector<16xi32>
    %ne3A_840 = arith.constant 0 : i32
    %ne3A_841 = vector.broadcast %ne3A_840 : i32 to vector<16xi32>
    %ne3A_842 = arith.cmpi ne, %rem3A_839, %ne3A_841 : vector<16xi32>
    %lt3A_843 = arith.constant 0 : i32
    %lt3A_844 = vector.broadcast %lt3A_843 : i32 to vector<16xi32>
    %lt3A_845 = arith.cmpi slt, %rem3A_839, %lt3A_844 : vector<16xi32>
    %lt3A_846 = arith.constant 0 : i32
    %lt3A_847 = arith.cmpi slt, %select_n3A_837, %lt3A_846 : i32
    %ne3A_848 = vector.broadcast %lt3A_847 : i1 to vector<16xi1>
    %ne3A_849 = vector.broadcast %ne3A_848 : vector<16xi1> to vector<16xi1>
    %ne3A_850 = arith.xori %lt3A_845, %ne3A_849 : vector<16xi1>
    %and3A_851 = arith.andi %ne3A_850, %ne3A_842 : vector<16xi1>
    %add3A_852 = vector.broadcast %select_n3A_837 : i32 to vector<16xi32>
    %add3A_853 = arith.addi %rem3A_839, %add3A_852 : vector<16xi32>
    %select_n3A_854 = arith.select %and3A_851, %add3A_853, %rem3A_839 : vector<16xi1>, vector<16xi32>
    %broadcast_in_dim3A_855 = vector.shape_cast %select_n3A_854 : vector<16xi32> to vector<16x1xi32>
    %gather3A_856 = vector.shape_cast %broadcast_in_dim3A_855 : vector<16x1xi32> to vector<16xi32>
    %gather3A_857 = tpu.dynamic_gather %add3A_829[%gather3A_856] in [0] : vector<16xi32>, vector<16xi32> -> vector<16xi32>
    %add3A_858 = arith.addi %add3A_829, %gather3A_857 : vector<16xi32>
    %select_n3A_859 = arith.select %eq3A_742, %add3A_858, %select_n3A_739 : vector<16xi1>, vector<16xi32>
    %eq3A_860 = arith.constant 7 : i32
    %eq3A_861 = vector.broadcast %eq3A_860 : i32 to vector<16xi32>
    %eq3A_862 = arith.cmpi eq, %iota3A, %eq3A_861 : vector<16xi32>
    %add3A_863 = arith.constant 8 : i32
    %add3A_864 = vector.broadcast %add3A_863 : i32 to vector<16xi32>
    %add3A_865 = arith.addi %iota3A, %add3A_864 : vector<16xi32>
    %jit3A_866 = arith.constant 16 : i32
    %eq3A_867 = arith.constant 0 : i32
    %eq3A_868 = arith.cmpi eq, %jit3A_866, %eq3A_867 : i32
    %jit3A_869 = arith.constant 1 : i32
    %select_n3A_870 = arith.select %eq3A_868, %jit3A_869, %jit3A_866 : i32
    %rem3A_871 = vector.broadcast %select_n3A_870 : i32 to vector<16xi32>
    %rem3A_872 = arith.remsi %add3A_865, %rem3A_871 : vector<16xi32>
    %ne3A_873 = arith.constant 0 : i32
    %ne3A_874 = vector.broadcast %ne3A_873 : i32 to vector<16xi32>
    %ne3A_875 = arith.cmpi ne, %rem3A_872, %ne3A_874 : vector<16xi32>
    %lt3A_876 = arith.constant 0 : i32
    %lt3A_877 = vector.broadcast %lt3A_876 : i32 to vector<16xi32>
    %lt3A_878 = arith.cmpi slt, %rem3A_872, %lt3A_877 : vector<16xi32>
    %lt3A_879 = arith.constant 0 : i32
    %lt3A_880 = arith.cmpi slt, %select_n3A_870, %lt3A_879 : i32
    %ne3A_881 = vector.broadcast %lt3A_880 : i1 to vector<16xi1>
    %ne3A_882 = vector.broadcast %ne3A_881 : vector<16xi1> to vector<16xi1>
    %ne3A_883 = arith.xori %lt3A_878, %ne3A_882 : vector<16xi1>
    %and3A_884 = arith.andi %ne3A_883, %ne3A_875 : vector<16xi1>
    %add3A_885 = vector.broadcast %select_n3A_870 : i32 to vector<16xi32>
    %add3A_886 = arith.addi %rem3A_872, %add3A_885 : vector<16xi32>
    %select_n3A_887 = arith.select %and3A_884, %add3A_886, %rem3A_872 : vector<16xi1>, vector<16xi32>
    %broadcast_in_dim3A_888 = vector.shape_cast %select_n3A_887 : vector<16xi32> to vector<16x1xi32>
    %gather3A_889 = vector.shape_cast %broadcast_in_dim3A_888 : vector<16x1xi32> to vector<16xi32>
    %gather3A_890 = tpu.dynamic_gather %scan3A_25#7[%gather3A_889] in [0] : vector<16xi32>, vector<16xi32> -> vector<16xi32>
    %add3A_891 = arith.addi %scan3A_25#7, %gather3A_890 : vector<16xi32>
    %add3A_892 = arith.constant 4 : i32
    %add3A_893 = vector.broadcast %add3A_892 : i32 to vector<16xi32>
    %add3A_894 = arith.addi %iota3A, %add3A_893 : vector<16xi32>
    %jit3A_895 = arith.constant 16 : i32
    %eq3A_896 = arith.constant 0 : i32
    %eq3A_897 = arith.cmpi eq, %jit3A_895, %eq3A_896 : i32
    %jit3A_898 = arith.constant 1 : i32
    %select_n3A_899 = arith.select %eq3A_897, %jit3A_898, %jit3A_895 : i32
    %rem3A_900 = vector.broadcast %select_n3A_899 : i32 to vector<16xi32>
    %rem3A_901 = arith.remsi %add3A_894, %rem3A_900 : vector<16xi32>
    %ne3A_902 = arith.constant 0 : i32
    %ne3A_903 = vector.broadcast %ne3A_902 : i32 to vector<16xi32>
    %ne3A_904 = arith.cmpi ne, %rem3A_901, %ne3A_903 : vector<16xi32>
    %lt3A_905 = arith.constant 0 : i32
    %lt3A_906 = vector.broadcast %lt3A_905 : i32 to vector<16xi32>
    %lt3A_907 = arith.cmpi slt, %rem3A_901, %lt3A_906 : vector<16xi32>
    %lt3A_908 = arith.constant 0 : i32
    %lt3A_909 = arith.cmpi slt, %select_n3A_899, %lt3A_908 : i32
    %ne3A_910 = vector.broadcast %lt3A_909 : i1 to vector<16xi1>
    %ne3A_911 = vector.broadcast %ne3A_910 : vector<16xi1> to vector<16xi1>
    %ne3A_912 = arith.xori %lt3A_907, %ne3A_911 : vector<16xi1>
    %and3A_913 = arith.andi %ne3A_912, %ne3A_904 : vector<16xi1>
    %add3A_914 = vector.broadcast %select_n3A_899 : i32 to vector<16xi32>
    %add3A_915 = arith.addi %rem3A_901, %add3A_914 : vector<16xi32>
    %select_n3A_916 = arith.select %and3A_913, %add3A_915, %rem3A_901 : vector<16xi1>, vector<16xi32>
    %broadcast_in_dim3A_917 = vector.shape_cast %select_n3A_916 : vector<16xi32> to vector<16x1xi32>
    %gather3A_918 = vector.shape_cast %broadcast_in_dim3A_917 : vector<16x1xi32> to vector<16xi32>
    %gather3A_919 = tpu.dynamic_gather %add3A_891[%gather3A_918] in [0] : vector<16xi32>, vector<16xi32> -> vector<16xi32>
    %add3A_920 = arith.addi %add3A_891, %gather3A_919 : vector<16xi32>
    %add3A_921 = arith.constant 2 : i32
    %add3A_922 = vector.broadcast %add3A_921 : i32 to vector<16xi32>
    %add3A_923 = arith.addi %iota3A, %add3A_922 : vector<16xi32>
    %jit3A_924 = arith.constant 16 : i32
    %eq3A_925 = arith.constant 0 : i32
    %eq3A_926 = arith.cmpi eq, %jit3A_924, %eq3A_925 : i32
    %jit3A_927 = arith.constant 1 : i32
    %select_n3A_928 = arith.select %eq3A_926, %jit3A_927, %jit3A_924 : i32
    %rem3A_929 = vector.broadcast %select_n3A_928 : i32 to vector<16xi32>
    %rem3A_930 = arith.remsi %add3A_923, %rem3A_929 : vector<16xi32>
    %ne3A_931 = arith.constant 0 : i32
    %ne3A_932 = vector.broadcast %ne3A_931 : i32 to vector<16xi32>
    %ne3A_933 = arith.cmpi ne, %rem3A_930, %ne3A_932 : vector<16xi32>
    %lt3A_934 = arith.constant 0 : i32
    %lt3A_935 = vector.broadcast %lt3A_934 : i32 to vector<16xi32>
    %lt3A_936 = arith.cmpi slt, %rem3A_930, %lt3A_935 : vector<16xi32>
    %lt3A_937 = arith.constant 0 : i32
    %lt3A_938 = arith.cmpi slt, %select_n3A_928, %lt3A_937 : i32
    %ne3A_939 = vector.broadcast %lt3A_938 : i1 to vector<16xi1>
    %ne3A_940 = vector.broadcast %ne3A_939 : vector<16xi1> to vector<16xi1>
    %ne3A_941 = arith.xori %lt3A_936, %ne3A_940 : vector<16xi1>
    %and3A_942 = arith.andi %ne3A_941, %ne3A_933 : vector<16xi1>
    %add3A_943 = vector.broadcast %select_n3A_928 : i32 to vector<16xi32>
    %add3A_944 = arith.addi %rem3A_930, %add3A_943 : vector<16xi32>
    %select_n3A_945 = arith.select %and3A_942, %add3A_944, %rem3A_930 : vector<16xi1>, vector<16xi32>
    %broadcast_in_dim3A_946 = vector.shape_cast %select_n3A_945 : vector<16xi32> to vector<16x1xi32>
    %gather3A_947 = vector.shape_cast %broadcast_in_dim3A_946 : vector<16x1xi32> to vector<16xi32>
    %gather3A_948 = tpu.dynamic_gather %add3A_920[%gather3A_947] in [0] : vector<16xi32>, vector<16xi32> -> vector<16xi32>
    %add3A_949 = arith.addi %add3A_920, %gather3A_948 : vector<16xi32>
    %add3A_950 = arith.constant 1 : i32
    %add3A_951 = vector.broadcast %add3A_950 : i32 to vector<16xi32>
    %add3A_952 = arith.addi %iota3A, %add3A_951 : vector<16xi32>
    %jit3A_953 = arith.constant 16 : i32
    %eq3A_954 = arith.constant 0 : i32
    %eq3A_955 = arith.cmpi eq, %jit3A_953, %eq3A_954 : i32
    %jit3A_956 = arith.constant 1 : i32
    %select_n3A_957 = arith.select %eq3A_955, %jit3A_956, %jit3A_953 : i32
    %rem3A_958 = vector.broadcast %select_n3A_957 : i32 to vector<16xi32>
    %rem3A_959 = arith.remsi %add3A_952, %rem3A_958 : vector<16xi32>
    %ne3A_960 = arith.constant 0 : i32
    %ne3A_961 = vector.broadcast %ne3A_960 : i32 to vector<16xi32>
    %ne3A_962 = arith.cmpi ne, %rem3A_959, %ne3A_961 : vector<16xi32>
    %lt3A_963 = arith.constant 0 : i32
    %lt3A_964 = vector.broadcast %lt3A_963 : i32 to vector<16xi32>
    %lt3A_965 = arith.cmpi slt, %rem3A_959, %lt3A_964 : vector<16xi32>
    %lt3A_966 = arith.constant 0 : i32
    %lt3A_967 = arith.cmpi slt, %select_n3A_957, %lt3A_966 : i32
    %ne3A_968 = vector.broadcast %lt3A_967 : i1 to vector<16xi1>
    %ne3A_969 = vector.broadcast %ne3A_968 : vector<16xi1> to vector<16xi1>
    %ne3A_970 = arith.xori %lt3A_965, %ne3A_969 : vector<16xi1>
    %and3A_971 = arith.andi %ne3A_970, %ne3A_962 : vector<16xi1>
    %add3A_972 = vector.broadcast %select_n3A_957 : i32 to vector<16xi32>
    %add3A_973 = arith.addi %rem3A_959, %add3A_972 : vector<16xi32>
    %select_n3A_974 = arith.select %and3A_971, %add3A_973, %rem3A_959 : vector<16xi1>, vector<16xi32>
    %broadcast_in_dim3A_975 = vector.shape_cast %select_n3A_974 : vector<16xi32> to vector<16x1xi32>
    %gather3A_976 = vector.shape_cast %broadcast_in_dim3A_975 : vector<16x1xi32> to vector<16xi32>
    %gather3A_977 = tpu.dynamic_gather %add3A_949[%gather3A_976] in [0] : vector<16xi32>, vector<16xi32> -> vector<16xi32>
    %add3A_978 = arith.addi %add3A_949, %gather3A_977 : vector<16xi32>
    %select_n3A_979 = arith.select %eq3A_862, %add3A_978, %select_n3A_859 : vector<16xi1>, vector<16xi32>
    %eq3A_980 = arith.constant 8 : i32
    %eq3A_981 = vector.broadcast %eq3A_980 : i32 to vector<16xi32>
    %eq3A_982 = arith.cmpi eq, %iota3A, %eq3A_981 : vector<16xi32>
    %add3A_983 = arith.constant 8 : i32
    %add3A_984 = vector.broadcast %add3A_983 : i32 to vector<16xi32>
    %add3A_985 = arith.addi %iota3A, %add3A_984 : vector<16xi32>
    %jit3A_986 = arith.constant 16 : i32
    %eq3A_987 = arith.constant 0 : i32
    %eq3A_988 = arith.cmpi eq, %jit3A_986, %eq3A_987 : i32
    %jit3A_989 = arith.constant 1 : i32
    %select_n3A_990 = arith.select %eq3A_988, %jit3A_989, %jit3A_986 : i32
    %rem3A_991 = vector.broadcast %select_n3A_990 : i32 to vector<16xi32>
    %rem3A_992 = arith.remsi %add3A_985, %rem3A_991 : vector<16xi32>
    %ne3A_993 = arith.constant 0 : i32
    %ne3A_994 = vector.broadcast %ne3A_993 : i32 to vector<16xi32>
    %ne3A_995 = arith.cmpi ne, %rem3A_992, %ne3A_994 : vector<16xi32>
    %lt3A_996 = arith.constant 0 : i32
    %lt3A_997 = vector.broadcast %lt3A_996 : i32 to vector<16xi32>
    %lt3A_998 = arith.cmpi slt, %rem3A_992, %lt3A_997 : vector<16xi32>
    %lt3A_999 = arith.constant 0 : i32
    %lt3A_1000 = arith.cmpi slt, %select_n3A_990, %lt3A_999 : i32
    %ne3A_1001 = vector.broadcast %lt3A_1000 : i1 to vector<16xi1>
    %ne3A_1002 = vector.broadcast %ne3A_1001 : vector<16xi1> to vector<16xi1>
    %ne3A_1003 = arith.xori %lt3A_998, %ne3A_1002 : vector<16xi1>
    %and3A_1004 = arith.andi %ne3A_1003, %ne3A_995 : vector<16xi1>
    %add3A_1005 = vector.broadcast %select_n3A_990 : i32 to vector<16xi32>
    %add3A_1006 = arith.addi %rem3A_992, %add3A_1005 : vector<16xi32>
    %select_n3A_1007 = arith.select %and3A_1004, %add3A_1006, %rem3A_992 : vector<16xi1>, vector<16xi32>
    %broadcast_in_dim3A_1008 = vector.shape_cast %select_n3A_1007 : vector<16xi32> to vector<16x1xi32>
    %gather3A_1009 = vector.shape_cast %broadcast_in_dim3A_1008 : vector<16x1xi32> to vector<16xi32>
    %gather3A_1010 = tpu.dynamic_gather %scan3A_25#8[%gather3A_1009] in [0] : vector<16xi32>, vector<16xi32> -> vector<16xi32>
    %add3A_1011 = arith.addi %scan3A_25#8, %gather3A_1010 : vector<16xi32>
    %add3A_1012 = arith.constant 4 : i32
    %add3A_1013 = vector.broadcast %add3A_1012 : i32 to vector<16xi32>
    %add3A_1014 = arith.addi %iota3A, %add3A_1013 : vector<16xi32>
    %jit3A_1015 = arith.constant 16 : i32
    %eq3A_1016 = arith.constant 0 : i32
    %eq3A_1017 = arith.cmpi eq, %jit3A_1015, %eq3A_1016 : i32
    %jit3A_1018 = arith.constant 1 : i32
    %select_n3A_1019 = arith.select %eq3A_1017, %jit3A_1018, %jit3A_1015 : i32
    %rem3A_1020 = vector.broadcast %select_n3A_1019 : i32 to vector<16xi32>
    %rem3A_1021 = arith.remsi %add3A_1014, %rem3A_1020 : vector<16xi32>
    %ne3A_1022 = arith.constant 0 : i32
    %ne3A_1023 = vector.broadcast %ne3A_1022 : i32 to vector<16xi32>
    %ne3A_1024 = arith.cmpi ne, %rem3A_1021, %ne3A_1023 : vector<16xi32>
    %lt3A_1025 = arith.constant 0 : i32
    %lt3A_1026 = vector.broadcast %lt3A_1025 : i32 to vector<16xi32>
    %lt3A_1027 = arith.cmpi slt, %rem3A_1021, %lt3A_1026 : vector<16xi32>
    %lt3A_1028 = arith.constant 0 : i32
    %lt3A_1029 = arith.cmpi slt, %select_n3A_1019, %lt3A_1028 : i32
    %ne3A_1030 = vector.broadcast %lt3A_1029 : i1 to vector<16xi1>
    %ne3A_1031 = vector.broadcast %ne3A_1030 : vector<16xi1> to vector<16xi1>
    %ne3A_1032 = arith.xori %lt3A_1027, %ne3A_1031 : vector<16xi1>
    %and3A_1033 = arith.andi %ne3A_1032, %ne3A_1024 : vector<16xi1>
    %add3A_1034 = vector.broadcast %select_n3A_1019 : i32 to vector<16xi32>
    %add3A_1035 = arith.addi %rem3A_1021, %add3A_1034 : vector<16xi32>
    %select_n3A_1036 = arith.select %and3A_1033, %add3A_1035, %rem3A_1021 : vector<16xi1>, vector<16xi32>
    %broadcast_in_dim3A_1037 = vector.shape_cast %select_n3A_1036 : vector<16xi32> to vector<16x1xi32>
    %gather3A_1038 = vector.shape_cast %broadcast_in_dim3A_1037 : vector<16x1xi32> to vector<16xi32>
    %gather3A_1039 = tpu.dynamic_gather %add3A_1011[%gather3A_1038] in [0] : vector<16xi32>, vector<16xi32> -> vector<16xi32>
    %add3A_1040 = arith.addi %add3A_1011, %gather3A_1039 : vector<16xi32>
    %add3A_1041 = arith.constant 2 : i32
    %add3A_1042 = vector.broadcast %add3A_1041 : i32 to vector<16xi32>
    %add3A_1043 = arith.addi %iota3A, %add3A_1042 : vector<16xi32>
    %jit3A_1044 = arith.constant 16 : i32
    %eq3A_1045 = arith.constant 0 : i32
    %eq3A_1046 = arith.cmpi eq, %jit3A_1044, %eq3A_1045 : i32
    %jit3A_1047 = arith.constant 1 : i32
    %select_n3A_1048 = arith.select %eq3A_1046, %jit3A_1047, %jit3A_1044 : i32
    %rem3A_1049 = vector.broadcast %select_n3A_1048 : i32 to vector<16xi32>
    %rem3A_1050 = arith.remsi %add3A_1043, %rem3A_1049 : vector<16xi32>
    %ne3A_1051 = arith.constant 0 : i32
    %ne3A_1052 = vector.broadcast %ne3A_1051 : i32 to vector<16xi32>
    %ne3A_1053 = arith.cmpi ne, %rem3A_1050, %ne3A_1052 : vector<16xi32>
    %lt3A_1054 = arith.constant 0 : i32
    %lt3A_1055 = vector.broadcast %lt3A_1054 : i32 to vector<16xi32>
    %lt3A_1056 = arith.cmpi slt, %rem3A_1050, %lt3A_1055 : vector<16xi32>
    %lt3A_1057 = arith.constant 0 : i32
    %lt3A_1058 = arith.cmpi slt, %select_n3A_1048, %lt3A_1057 : i32
    %ne3A_1059 = vector.broadcast %lt3A_1058 : i1 to vector<16xi1>
    %ne3A_1060 = vector.broadcast %ne3A_1059 : vector<16xi1> to vector<16xi1>
    %ne3A_1061 = arith.xori %lt3A_1056, %ne3A_1060 : vector<16xi1>
    %and3A_1062 = arith.andi %ne3A_1061, %ne3A_1053 : vector<16xi1>
    %add3A_1063 = vector.broadcast %select_n3A_1048 : i32 to vector<16xi32>
    %add3A_1064 = arith.addi %rem3A_1050, %add3A_1063 : vector<16xi32>
    %select_n3A_1065 = arith.select %and3A_1062, %add3A_1064, %rem3A_1050 : vector<16xi1>, vector<16xi32>
    %broadcast_in_dim3A_1066 = vector.shape_cast %select_n3A_1065 : vector<16xi32> to vector<16x1xi32>
    %gather3A_1067 = vector.shape_cast %broadcast_in_dim3A_1066 : vector<16x1xi32> to vector<16xi32>
    %gather3A_1068 = tpu.dynamic_gather %add3A_1040[%gather3A_1067] in [0] : vector<16xi32>, vector<16xi32> -> vector<16xi32>
    %add3A_1069 = arith.addi %add3A_1040, %gather3A_1068 : vector<16xi32>
    %add3A_1070 = arith.constant 1 : i32
    %add3A_1071 = vector.broadcast %add3A_1070 : i32 to vector<16xi32>
    %add3A_1072 = arith.addi %iota3A, %add3A_1071 : vector<16xi32>
    %jit3A_1073 = arith.constant 16 : i32
    %eq3A_1074 = arith.constant 0 : i32
    %eq3A_1075 = arith.cmpi eq, %jit3A_1073, %eq3A_1074 : i32
    %jit3A_1076 = arith.constant 1 : i32
    %select_n3A_1077 = arith.select %eq3A_1075, %jit3A_1076, %jit3A_1073 : i32
    %rem3A_1078 = vector.broadcast %select_n3A_1077 : i32 to vector<16xi32>
    %rem3A_1079 = arith.remsi %add3A_1072, %rem3A_1078 : vector<16xi32>
    %ne3A_1080 = arith.constant 0 : i32
    %ne3A_1081 = vector.broadcast %ne3A_1080 : i32 to vector<16xi32>
    %ne3A_1082 = arith.cmpi ne, %rem3A_1079, %ne3A_1081 : vector<16xi32>
    %lt3A_1083 = arith.constant 0 : i32
    %lt3A_1084 = vector.broadcast %lt3A_1083 : i32 to vector<16xi32>
    %lt3A_1085 = arith.cmpi slt, %rem3A_1079, %lt3A_1084 : vector<16xi32>
    %lt3A_1086 = arith.constant 0 : i32
    %lt3A_1087 = arith.cmpi slt, %select_n3A_1077, %lt3A_1086 : i32
    %ne3A_1088 = vector.broadcast %lt3A_1087 : i1 to vector<16xi1>
    %ne3A_1089 = vector.broadcast %ne3A_1088 : vector<16xi1> to vector<16xi1>
    %ne3A_1090 = arith.xori %lt3A_1085, %ne3A_1089 : vector<16xi1>
    %and3A_1091 = arith.andi %ne3A_1090, %ne3A_1082 : vector<16xi1>
    %add3A_1092 = vector.broadcast %select_n3A_1077 : i32 to vector<16xi32>
    %add3A_1093 = arith.addi %rem3A_1079, %add3A_1092 : vector<16xi32>
    %select_n3A_1094 = arith.select %and3A_1091, %add3A_1093, %rem3A_1079 : vector<16xi1>, vector<16xi32>
    %broadcast_in_dim3A_1095 = vector.shape_cast %select_n3A_1094 : vector<16xi32> to vector<16x1xi32>
    %gather3A_1096 = vector.shape_cast %broadcast_in_dim3A_1095 : vector<16x1xi32> to vector<16xi32>
    %gather3A_1097 = tpu.dynamic_gather %add3A_1069[%gather3A_1096] in [0] : vector<16xi32>, vector<16xi32> -> vector<16xi32>
    %add3A_1098 = arith.addi %add3A_1069, %gather3A_1097 : vector<16xi32>
    %select_n3A_1099 = arith.select %eq3A_982, %add3A_1098, %select_n3A_979 : vector<16xi1>, vector<16xi32>
    %eq3A_1100 = arith.constant 9 : i32
    %eq3A_1101 = vector.broadcast %eq3A_1100 : i32 to vector<16xi32>
    %eq3A_1102 = arith.cmpi eq, %iota3A, %eq3A_1101 : vector<16xi32>
    %add3A_1103 = arith.constant 8 : i32
    %add3A_1104 = vector.broadcast %add3A_1103 : i32 to vector<16xi32>
    %add3A_1105 = arith.addi %iota3A, %add3A_1104 : vector<16xi32>
    %jit3A_1106 = arith.constant 16 : i32
    %eq3A_1107 = arith.constant 0 : i32
    %eq3A_1108 = arith.cmpi eq, %jit3A_1106, %eq3A_1107 : i32
    %jit3A_1109 = arith.constant 1 : i32
    %select_n3A_1110 = arith.select %eq3A_1108, %jit3A_1109, %jit3A_1106 : i32
    %rem3A_1111 = vector.broadcast %select_n3A_1110 : i32 to vector<16xi32>
    %rem3A_1112 = arith.remsi %add3A_1105, %rem3A_1111 : vector<16xi32>
    %ne3A_1113 = arith.constant 0 : i32
    %ne3A_1114 = vector.broadcast %ne3A_1113 : i32 to vector<16xi32>
    %ne3A_1115 = arith.cmpi ne, %rem3A_1112, %ne3A_1114 : vector<16xi32>
    %lt3A_1116 = arith.constant 0 : i32
    %lt3A_1117 = vector.broadcast %lt3A_1116 : i32 to vector<16xi32>
    %lt3A_1118 = arith.cmpi slt, %rem3A_1112, %lt3A_1117 : vector<16xi32>
    %lt3A_1119 = arith.constant 0 : i32
    %lt3A_1120 = arith.cmpi slt, %select_n3A_1110, %lt3A_1119 : i32
    %ne3A_1121 = vector.broadcast %lt3A_1120 : i1 to vector<16xi1>
    %ne3A_1122 = vector.broadcast %ne3A_1121 : vector<16xi1> to vector<16xi1>
    %ne3A_1123 = arith.xori %lt3A_1118, %ne3A_1122 : vector<16xi1>
    %and3A_1124 = arith.andi %ne3A_1123, %ne3A_1115 : vector<16xi1>
    %add3A_1125 = vector.broadcast %select_n3A_1110 : i32 to vector<16xi32>
    %add3A_1126 = arith.addi %rem3A_1112, %add3A_1125 : vector<16xi32>
    %select_n3A_1127 = arith.select %and3A_1124, %add3A_1126, %rem3A_1112 : vector<16xi1>, vector<16xi32>
    %broadcast_in_dim3A_1128 = vector.shape_cast %select_n3A_1127 : vector<16xi32> to vector<16x1xi32>
    %gather3A_1129 = vector.shape_cast %broadcast_in_dim3A_1128 : vector<16x1xi32> to vector<16xi32>
    %gather3A_1130 = tpu.dynamic_gather %scan3A_25#9[%gather3A_1129] in [0] : vector<16xi32>, vector<16xi32> -> vector<16xi32>
    %add3A_1131 = arith.addi %scan3A_25#9, %gather3A_1130 : vector<16xi32>
    %add3A_1132 = arith.constant 4 : i32
    %add3A_1133 = vector.broadcast %add3A_1132 : i32 to vector<16xi32>
    %add3A_1134 = arith.addi %iota3A, %add3A_1133 : vector<16xi32>
    %jit3A_1135 = arith.constant 16 : i32
    %eq3A_1136 = arith.constant 0 : i32
    %eq3A_1137 = arith.cmpi eq, %jit3A_1135, %eq3A_1136 : i32
    %jit3A_1138 = arith.constant 1 : i32
    %select_n3A_1139 = arith.select %eq3A_1137, %jit3A_1138, %jit3A_1135 : i32
    %rem3A_1140 = vector.broadcast %select_n3A_1139 : i32 to vector<16xi32>
    %rem3A_1141 = arith.remsi %add3A_1134, %rem3A_1140 : vector<16xi32>
    %ne3A_1142 = arith.constant 0 : i32
    %ne3A_1143 = vector.broadcast %ne3A_1142 : i32 to vector<16xi32>
    %ne3A_1144 = arith.cmpi ne, %rem3A_1141, %ne3A_1143 : vector<16xi32>
    %lt3A_1145 = arith.constant 0 : i32
    %lt3A_1146 = vector.broadcast %lt3A_1145 : i32 to vector<16xi32>
    %lt3A_1147 = arith.cmpi slt, %rem3A_1141, %lt3A_1146 : vector<16xi32>
    %lt3A_1148 = arith.constant 0 : i32
    %lt3A_1149 = arith.cmpi slt, %select_n3A_1139, %lt3A_1148 : i32
    %ne3A_1150 = vector.broadcast %lt3A_1149 : i1 to vector<16xi1>
    %ne3A_1151 = vector.broadcast %ne3A_1150 : vector<16xi1> to vector<16xi1>
    %ne3A_1152 = arith.xori %lt3A_1147, %ne3A_1151 : vector<16xi1>
    %and3A_1153 = arith.andi %ne3A_1152, %ne3A_1144 : vector<16xi1>
    %add3A_1154 = vector.broadcast %select_n3A_1139 : i32 to vector<16xi32>
    %add3A_1155 = arith.addi %rem3A_1141, %add3A_1154 : vector<16xi32>
    %select_n3A_1156 = arith.select %and3A_1153, %add3A_1155, %rem3A_1141 : vector<16xi1>, vector<16xi32>
    %broadcast_in_dim3A_1157 = vector.shape_cast %select_n3A_1156 : vector<16xi32> to vector<16x1xi32>
    %gather3A_1158 = vector.shape_cast %broadcast_in_dim3A_1157 : vector<16x1xi32> to vector<16xi32>
    %gather3A_1159 = tpu.dynamic_gather %add3A_1131[%gather3A_1158] in [0] : vector<16xi32>, vector<16xi32> -> vector<16xi32>
    %add3A_1160 = arith.addi %add3A_1131, %gather3A_1159 : vector<16xi32>
    %add3A_1161 = arith.constant 2 : i32
    %add3A_1162 = vector.broadcast %add3A_1161 : i32 to vector<16xi32>
    %add3A_1163 = arith.addi %iota3A, %add3A_1162 : vector<16xi32>
    %jit3A_1164 = arith.constant 16 : i32
    %eq3A_1165 = arith.constant 0 : i32
    %eq3A_1166 = arith.cmpi eq, %jit3A_1164, %eq3A_1165 : i32
    %jit3A_1167 = arith.constant 1 : i32
    %select_n3A_1168 = arith.select %eq3A_1166, %jit3A_1167, %jit3A_1164 : i32
    %rem3A_1169 = vector.broadcast %select_n3A_1168 : i32 to vector<16xi32>
    %rem3A_1170 = arith.remsi %add3A_1163, %rem3A_1169 : vector<16xi32>
    %ne3A_1171 = arith.constant 0 : i32
    %ne3A_1172 = vector.broadcast %ne3A_1171 : i32 to vector<16xi32>
    %ne3A_1173 = arith.cmpi ne, %rem3A_1170, %ne3A_1172 : vector<16xi32>
    %lt3A_1174 = arith.constant 0 : i32
    %lt3A_1175 = vector.broadcast %lt3A_1174 : i32 to vector<16xi32>
    %lt3A_1176 = arith.cmpi slt, %rem3A_1170, %lt3A_1175 : vector<16xi32>
    %lt3A_1177 = arith.constant 0 : i32
    %lt3A_1178 = arith.cmpi slt, %select_n3A_1168, %lt3A_1177 : i32
    %ne3A_1179 = vector.broadcast %lt3A_1178 : i1 to vector<16xi1>
    %ne3A_1180 = vector.broadcast %ne3A_1179 : vector<16xi1> to vector<16xi1>
    %ne3A_1181 = arith.xori %lt3A_1176, %ne3A_1180 : vector<16xi1>
    %and3A_1182 = arith.andi %ne3A_1181, %ne3A_1173 : vector<16xi1>
    %add3A_1183 = vector.broadcast %select_n3A_1168 : i32 to vector<16xi32>
    %add3A_1184 = arith.addi %rem3A_1170, %add3A_1183 : vector<16xi32>
    %select_n3A_1185 = arith.select %and3A_1182, %add3A_1184, %rem3A_1170 : vector<16xi1>, vector<16xi32>
    %broadcast_in_dim3A_1186 = vector.shape_cast %select_n3A_1185 : vector<16xi32> to vector<16x1xi32>
    %gather3A_1187 = vector.shape_cast %broadcast_in_dim3A_1186 : vector<16x1xi32> to vector<16xi32>
    %gather3A_1188 = tpu.dynamic_gather %add3A_1160[%gather3A_1187] in [0] : vector<16xi32>, vector<16xi32> -> vector<16xi32>
    %add3A_1189 = arith.addi %add3A_1160, %gather3A_1188 : vector<16xi32>
    %add3A_1190 = arith.constant 1 : i32
    %add3A_1191 = vector.broadcast %add3A_1190 : i32 to vector<16xi32>
    %add3A_1192 = arith.addi %iota3A, %add3A_1191 : vector<16xi32>
    %jit3A_1193 = arith.constant 16 : i32
    %eq3A_1194 = arith.constant 0 : i32
    %eq3A_1195 = arith.cmpi eq, %jit3A_1193, %eq3A_1194 : i32
    %jit3A_1196 = arith.constant 1 : i32
    %select_n3A_1197 = arith.select %eq3A_1195, %jit3A_1196, %jit3A_1193 : i32
    %rem3A_1198 = vector.broadcast %select_n3A_1197 : i32 to vector<16xi32>
    %rem3A_1199 = arith.remsi %add3A_1192, %rem3A_1198 : vector<16xi32>
    %ne3A_1200 = arith.constant 0 : i32
    %ne3A_1201 = vector.broadcast %ne3A_1200 : i32 to vector<16xi32>
    %ne3A_1202 = arith.cmpi ne, %rem3A_1199, %ne3A_1201 : vector<16xi32>
    %lt3A_1203 = arith.constant 0 : i32
    %lt3A_1204 = vector.broadcast %lt3A_1203 : i32 to vector<16xi32>
    %lt3A_1205 = arith.cmpi slt, %rem3A_1199, %lt3A_1204 : vector<16xi32>
    %lt3A_1206 = arith.constant 0 : i32
    %lt3A_1207 = arith.cmpi slt, %select_n3A_1197, %lt3A_1206 : i32
    %ne3A_1208 = vector.broadcast %lt3A_1207 : i1 to vector<16xi1>
    %ne3A_1209 = vector.broadcast %ne3A_1208 : vector<16xi1> to vector<16xi1>
    %ne3A_1210 = arith.xori %lt3A_1205, %ne3A_1209 : vector<16xi1>
    %and3A_1211 = arith.andi %ne3A_1210, %ne3A_1202 : vector<16xi1>
    %add3A_1212 = vector.broadcast %select_n3A_1197 : i32 to vector<16xi32>
    %add3A_1213 = arith.addi %rem3A_1199, %add3A_1212 : vector<16xi32>
    %select_n3A_1214 = arith.select %and3A_1211, %add3A_1213, %rem3A_1199 : vector<16xi1>, vector<16xi32>
    %broadcast_in_dim3A_1215 = vector.shape_cast %select_n3A_1214 : vector<16xi32> to vector<16x1xi32>
    %gather3A_1216 = vector.shape_cast %broadcast_in_dim3A_1215 : vector<16x1xi32> to vector<16xi32>
    %gather3A_1217 = tpu.dynamic_gather %add3A_1189[%gather3A_1216] in [0] : vector<16xi32>, vector<16xi32> -> vector<16xi32>
    %add3A_1218 = arith.addi %add3A_1189, %gather3A_1217 : vector<16xi32>
    %select_n3A_1219 = arith.select %eq3A_1102, %add3A_1218, %select_n3A_1099 : vector<16xi1>, vector<16xi32>
    %eq3A_1220 = arith.constant 10 : i32
    %eq3A_1221 = vector.broadcast %eq3A_1220 : i32 to vector<16xi32>
    %eq3A_1222 = arith.cmpi eq, %iota3A, %eq3A_1221 : vector<16xi32>
    %add3A_1223 = arith.constant 8 : i32
    %add3A_1224 = vector.broadcast %add3A_1223 : i32 to vector<16xi32>
    %add3A_1225 = arith.addi %iota3A, %add3A_1224 : vector<16xi32>
    %jit3A_1226 = arith.constant 16 : i32
    %eq3A_1227 = arith.constant 0 : i32
    %eq3A_1228 = arith.cmpi eq, %jit3A_1226, %eq3A_1227 : i32
    %jit3A_1229 = arith.constant 1 : i32
    %select_n3A_1230 = arith.select %eq3A_1228, %jit3A_1229, %jit3A_1226 : i32
    %rem3A_1231 = vector.broadcast %select_n3A_1230 : i32 to vector<16xi32>
    %rem3A_1232 = arith.remsi %add3A_1225, %rem3A_1231 : vector<16xi32>
    %ne3A_1233 = arith.constant 0 : i32
    %ne3A_1234 = vector.broadcast %ne3A_1233 : i32 to vector<16xi32>
    %ne3A_1235 = arith.cmpi ne, %rem3A_1232, %ne3A_1234 : vector<16xi32>
    %lt3A_1236 = arith.constant 0 : i32
    %lt3A_1237 = vector.broadcast %lt3A_1236 : i32 to vector<16xi32>
    %lt3A_1238 = arith.cmpi slt, %rem3A_1232, %lt3A_1237 : vector<16xi32>
    %lt3A_1239 = arith.constant 0 : i32
    %lt3A_1240 = arith.cmpi slt, %select_n3A_1230, %lt3A_1239 : i32
    %ne3A_1241 = vector.broadcast %lt3A_1240 : i1 to vector<16xi1>
    %ne3A_1242 = vector.broadcast %ne3A_1241 : vector<16xi1> to vector<16xi1>
    %ne3A_1243 = arith.xori %lt3A_1238, %ne3A_1242 : vector<16xi1>
    %and3A_1244 = arith.andi %ne3A_1243, %ne3A_1235 : vector<16xi1>
    %add3A_1245 = vector.broadcast %select_n3A_1230 : i32 to vector<16xi32>
    %add3A_1246 = arith.addi %rem3A_1232, %add3A_1245 : vector<16xi32>
    %select_n3A_1247 = arith.select %and3A_1244, %add3A_1246, %rem3A_1232 : vector<16xi1>, vector<16xi32>
    %broadcast_in_dim3A_1248 = vector.shape_cast %select_n3A_1247 : vector<16xi32> to vector<16x1xi32>
    %gather3A_1249 = vector.shape_cast %broadcast_in_dim3A_1248 : vector<16x1xi32> to vector<16xi32>
    %gather3A_1250 = tpu.dynamic_gather %scan3A_25#10[%gather3A_1249] in [0] : vector<16xi32>, vector<16xi32> -> vector<16xi32>
    %add3A_1251 = arith.addi %scan3A_25#10, %gather3A_1250 : vector<16xi32>
    %add3A_1252 = arith.constant 4 : i32
    %add3A_1253 = vector.broadcast %add3A_1252 : i32 to vector<16xi32>
    %add3A_1254 = arith.addi %iota3A, %add3A_1253 : vector<16xi32>
    %jit3A_1255 = arith.constant 16 : i32
    %eq3A_1256 = arith.constant 0 : i32
    %eq3A_1257 = arith.cmpi eq, %jit3A_1255, %eq3A_1256 : i32
    %jit3A_1258 = arith.constant 1 : i32
    %select_n3A_1259 = arith.select %eq3A_1257, %jit3A_1258, %jit3A_1255 : i32
    %rem3A_1260 = vector.broadcast %select_n3A_1259 : i32 to vector<16xi32>
    %rem3A_1261 = arith.remsi %add3A_1254, %rem3A_1260 : vector<16xi32>
    %ne3A_1262 = arith.constant 0 : i32
    %ne3A_1263 = vector.broadcast %ne3A_1262 : i32 to vector<16xi32>
    %ne3A_1264 = arith.cmpi ne, %rem3A_1261, %ne3A_1263 : vector<16xi32>
    %lt3A_1265 = arith.constant 0 : i32
    %lt3A_1266 = vector.broadcast %lt3A_1265 : i32 to vector<16xi32>
    %lt3A_1267 = arith.cmpi slt, %rem3A_1261, %lt3A_1266 : vector<16xi32>
    %lt3A_1268 = arith.constant 0 : i32
    %lt3A_1269 = arith.cmpi slt, %select_n3A_1259, %lt3A_1268 : i32
    %ne3A_1270 = vector.broadcast %lt3A_1269 : i1 to vector<16xi1>
    %ne3A_1271 = vector.broadcast %ne3A_1270 : vector<16xi1> to vector<16xi1>
    %ne3A_1272 = arith.xori %lt3A_1267, %ne3A_1271 : vector<16xi1>
    %and3A_1273 = arith.andi %ne3A_1272, %ne3A_1264 : vector<16xi1>
    %add3A_1274 = vector.broadcast %select_n3A_1259 : i32 to vector<16xi32>
    %add3A_1275 = arith.addi %rem3A_1261, %add3A_1274 : vector<16xi32>
    %select_n3A_1276 = arith.select %and3A_1273, %add3A_1275, %rem3A_1261 : vector<16xi1>, vector<16xi32>
    %broadcast_in_dim3A_1277 = vector.shape_cast %select_n3A_1276 : vector<16xi32> to vector<16x1xi32>
    %gather3A_1278 = vector.shape_cast %broadcast_in_dim3A_1277 : vector<16x1xi32> to vector<16xi32>
    %gather3A_1279 = tpu.dynamic_gather %add3A_1251[%gather3A_1278] in [0] : vector<16xi32>, vector<16xi32> -> vector<16xi32>
    %add3A_1280 = arith.addi %add3A_1251, %gather3A_1279 : vector<16xi32>
    %add3A_1281 = arith.constant 2 : i32
    %add3A_1282 = vector.broadcast %add3A_1281 : i32 to vector<16xi32>
    %add3A_1283 = arith.addi %iota3A, %add3A_1282 : vector<16xi32>
    %jit3A_1284 = arith.constant 16 : i32
    %eq3A_1285 = arith.constant 0 : i32
    %eq3A_1286 = arith.cmpi eq, %jit3A_1284, %eq3A_1285 : i32
    %jit3A_1287 = arith.constant 1 : i32
    %select_n3A_1288 = arith.select %eq3A_1286, %jit3A_1287, %jit3A_1284 : i32
    %rem3A_1289 = vector.broadcast %select_n3A_1288 : i32 to vector<16xi32>
    %rem3A_1290 = arith.remsi %add3A_1283, %rem3A_1289 : vector<16xi32>
    %ne3A_1291 = arith.constant 0 : i32
    %ne3A_1292 = vector.broadcast %ne3A_1291 : i32 to vector<16xi32>
    %ne3A_1293 = arith.cmpi ne, %rem3A_1290, %ne3A_1292 : vector<16xi32>
    %lt3A_1294 = arith.constant 0 : i32
    %lt3A_1295 = vector.broadcast %lt3A_1294 : i32 to vector<16xi32>
    %lt3A_1296 = arith.cmpi slt, %rem3A_1290, %lt3A_1295 : vector<16xi32>
    %lt3A_1297 = arith.constant 0 : i32
    %lt3A_1298 = arith.cmpi slt, %select_n3A_1288, %lt3A_1297 : i32
    %ne3A_1299 = vector.broadcast %lt3A_1298 : i1 to vector<16xi1>
    %ne3A_1300 = vector.broadcast %ne3A_1299 : vector<16xi1> to vector<16xi1>
    %ne3A_1301 = arith.xori %lt3A_1296, %ne3A_1300 : vector<16xi1>
    %and3A_1302 = arith.andi %ne3A_1301, %ne3A_1293 : vector<16xi1>
    %add3A_1303 = vector.broadcast %select_n3A_1288 : i32 to vector<16xi32>
    %add3A_1304 = arith.addi %rem3A_1290, %add3A_1303 : vector<16xi32>
    %select_n3A_1305 = arith.select %and3A_1302, %add3A_1304, %rem3A_1290 : vector<16xi1>, vector<16xi32>
    %broadcast_in_dim3A_1306 = vector.shape_cast %select_n3A_1305 : vector<16xi32> to vector<16x1xi32>
    %gather3A_1307 = vector.shape_cast %broadcast_in_dim3A_1306 : vector<16x1xi32> to vector<16xi32>
    %gather3A_1308 = tpu.dynamic_gather %add3A_1280[%gather3A_1307] in [0] : vector<16xi32>, vector<16xi32> -> vector<16xi32>
    %add3A_1309 = arith.addi %add3A_1280, %gather3A_1308 : vector<16xi32>
    %add3A_1310 = arith.constant 1 : i32
    %add3A_1311 = vector.broadcast %add3A_1310 : i32 to vector<16xi32>
    %add3A_1312 = arith.addi %iota3A, %add3A_1311 : vector<16xi32>
    %jit3A_1313 = arith.constant 16 : i32
    %eq3A_1314 = arith.constant 0 : i32
    %eq3A_1315 = arith.cmpi eq, %jit3A_1313, %eq3A_1314 : i32
    %jit3A_1316 = arith.constant 1 : i32
    %select_n3A_1317 = arith.select %eq3A_1315, %jit3A_1316, %jit3A_1313 : i32
    %rem3A_1318 = vector.broadcast %select_n3A_1317 : i32 to vector<16xi32>
    %rem3A_1319 = arith.remsi %add3A_1312, %rem3A_1318 : vector<16xi32>
    %ne3A_1320 = arith.constant 0 : i32
    %ne3A_1321 = vector.broadcast %ne3A_1320 : i32 to vector<16xi32>
    %ne3A_1322 = arith.cmpi ne, %rem3A_1319, %ne3A_1321 : vector<16xi32>
    %lt3A_1323 = arith.constant 0 : i32
    %lt3A_1324 = vector.broadcast %lt3A_1323 : i32 to vector<16xi32>
    %lt3A_1325 = arith.cmpi slt, %rem3A_1319, %lt3A_1324 : vector<16xi32>
    %lt3A_1326 = arith.constant 0 : i32
    %lt3A_1327 = arith.cmpi slt, %select_n3A_1317, %lt3A_1326 : i32
    %ne3A_1328 = vector.broadcast %lt3A_1327 : i1 to vector<16xi1>
    %ne3A_1329 = vector.broadcast %ne3A_1328 : vector<16xi1> to vector<16xi1>
    %ne3A_1330 = arith.xori %lt3A_1325, %ne3A_1329 : vector<16xi1>
    %and3A_1331 = arith.andi %ne3A_1330, %ne3A_1322 : vector<16xi1>
    %add3A_1332 = vector.broadcast %select_n3A_1317 : i32 to vector<16xi32>
    %add3A_1333 = arith.addi %rem3A_1319, %add3A_1332 : vector<16xi32>
    %select_n3A_1334 = arith.select %and3A_1331, %add3A_1333, %rem3A_1319 : vector<16xi1>, vector<16xi32>
    %broadcast_in_dim3A_1335 = vector.shape_cast %select_n3A_1334 : vector<16xi32> to vector<16x1xi32>
    %gather3A_1336 = vector.shape_cast %broadcast_in_dim3A_1335 : vector<16x1xi32> to vector<16xi32>
    %gather3A_1337 = tpu.dynamic_gather %add3A_1309[%gather3A_1336] in [0] : vector<16xi32>, vector<16xi32> -> vector<16xi32>
    %add3A_1338 = arith.addi %add3A_1309, %gather3A_1337 : vector<16xi32>
    %select_n3A_1339 = arith.select %eq3A_1222, %add3A_1338, %select_n3A_1219 : vector<16xi1>, vector<16xi32>
    %swap3A = arith.constant 0 : index
    %swap3A_1340 = tpu.vector_load %arg9[%swap3A] {strides = array<i32>} : memref<16xi32, #tpu.memory_space<vmem>>, vector<16xi32>,
    tpu.vector_store %arg9[%swap3A], %select_n3A_1339 {strides = array<i32>} : memref<16xi32, #tpu.memory_space<vmem>>, vector<16xi32>,
    %mul3A_1341 = arith.constant 16 : i32
    %mul3A_1342 = arith.muli %arg1, %mul3A_1341 : i32
    "tpu.region"() ({
      %run_scoped3A = tpu.sem_alloc : memref<!tpu.dma_semaphore, #tpu.memory_space<semaphore_mem>>
      %dma_start3A = tpu.memref_slice %arg12[%mul3A_1342] : memref<256xi32, #tpu.memory_space<vmem_shared>> -> memref<16xi32, #tpu.memory_space<vmem_shared>>
      %dma_start3A_1544 = tpu.memref_slice %arg12[%mul3A_1342] : memref<256xi32, #tpu.memory_space<vmem_shared>> -> memref<16xi32, #tpu.memory_space<vmem_shared>>
      tpu.enqueue_dma source(%arg9 : memref<16xi32, #tpu.memory_space<vmem>>) target(%dma_start3A_1544 : memref<16xi32, #tpu.memory_space<vmem_shared>>) target_semaphore(%run_scoped3A : memref<!tpu.dma_semaphore, #tpu.memory_space<semaphore_mem>>)
      %dma_wait3A = tpu.memref_slice %arg12[%mul3A_1342] : memref<256xi32, #tpu.memory_space<vmem_shared>> -> memref<16xi32, #tpu.memory_space<vmem_shared>>
      %dma_wait3A_1545 = tpu.memref_slice %arg12[%mul3A_1342] : memref<256xi32, #tpu.memory_space<vmem_shared>> -> memref<16xi32, #tpu.memory_space<vmem_shared>>
      tpu.wait_dma2 semaphore(%run_scoped3A : memref<!tpu.dma_semaphore, #tpu.memory_space<semaphore_mem>>) src(%arg9 : memref<16xi32, #tpu.memory_space<vmem>>) dst(%dma_wait3A_1545 : memref<16xi32, #tpu.memory_space<vmem_shared>>)
      tpu.yield
    }) : () -> ()
    %barrier3A = arith.constant 0 : index
    tpu.barrier barrier_id(%barrier3A)
    "tpu.region"() ({
      %run_scoped3A = tpu.sem_alloc : memref<!tpu.dma_semaphore, #tpu.memory_space<semaphore_mem>>
      tpu.enqueue_dma source(%arg12 : memref<256xi32, #tpu.memory_space<vmem_shared>>) target(%arg7 : memref<256xi32, #tpu.memory_space<vmem>>) target_semaphore(%run_scoped3A : memref<!tpu.dma_semaphore, #tpu.memory_space<semaphore_mem>>)
      tpu.wait_dma2 semaphore(%run_scoped3A : memref<!tpu.dma_semaphore, #tpu.memory_space<semaphore_mem>>) src(%arg12 : memref<256xi32, #tpu.memory_space<vmem_shared>>) dst(%arg7 : memref<256xi32, #tpu.memory_space<vmem>>)
      tpu.yield
    }) : () -> ()
    %get3A = arith.constant 0 : index
    %get3A_1343 = tpu.vector_load %arg7[%get3A] {strides = array<i32>} : memref<256xi32, #tpu.memory_space<vmem>>, vector<16xi32>,
    %get3A_1344 = arith.constant 16 : index
    %get3A_1345 = tpu.vector_load %arg7[%get3A_1344] {strides = array<i32>} : memref<256xi32, #tpu.memory_space<vmem>>, vector<16xi32>,
    %add3A_1346 = arith.addi %get3A_1343, %get3A_1345 : vector<16xi32>
    %get3A_1347 = arith.constant 32 : index
    %get3A_1348 = tpu.vector_load %arg7[%get3A_1347] {strides = array<i32>} : memref<256xi32, #tpu.memory_space<vmem>>, vector<16xi32>,
    %add3A_1349 = arith.addi %add3A_1346, %get3A_1348 : vector<16xi32>
    %get3A_1350 = arith.constant 48 : index
    %get3A_1351 = tpu.vector_load %arg7[%get3A_1350] {strides = array<i32>} : memref<256xi32, #tpu.memory_space<vmem>>, vector<16xi32>,
    %add3A_1352 = arith.addi %add3A_1349, %get3A_1351 : vector<16xi32>
    %get3A_1353 = arith.constant 64 : index
    %get3A_1354 = tpu.vector_load %arg7[%get3A_1353] {strides = array<i32>} : memref<256xi32, #tpu.memory_space<vmem>>, vector<16xi32>,
    %add3A_1355 = arith.addi %add3A_1352, %get3A_1354 : vector<16xi32>
    %get3A_1356 = arith.constant 80 : index
    %get3A_1357 = tpu.vector_load %arg7[%get3A_1356] {strides = array<i32>} : memref<256xi32, #tpu.memory_space<vmem>>, vector<16xi32>,
    %add3A_1358 = arith.addi %add3A_1355, %get3A_1357 : vector<16xi32>
    %get3A_1359 = arith.constant 96 : index
    %get3A_1360 = tpu.vector_load %arg7[%get3A_1359] {strides = array<i32>} : memref<256xi32, #tpu.memory_space<vmem>>, vector<16xi32>,
    %add3A_1361 = arith.addi %add3A_1358, %get3A_1360 : vector<16xi32>
    %get3A_1362 = arith.constant 112 : index
    %get3A_1363 = tpu.vector_load %arg7[%get3A_1362] {strides = array<i32>} : memref<256xi32, #tpu.memory_space<vmem>>, vector<16xi32>,
    %add3A_1364 = arith.addi %add3A_1361, %get3A_1363 : vector<16xi32>
    %get3A_1365 = arith.constant 128 : index
    %get3A_1366 = tpu.vector_load %arg7[%get3A_1365] {strides = array<i32>} : memref<256xi32, #tpu.memory_space<vmem>>, vector<16xi32>,
    %add3A_1367 = arith.addi %add3A_1364, %get3A_1366 : vector<16xi32>
    %get3A_1368 = arith.constant 144 : index
    %get3A_1369 = tpu.vector_load %arg7[%get3A_1368] {strides = array<i32>} : memref<256xi32, #tpu.memory_space<vmem>>, vector<16xi32>,
    %add3A_1370 = arith.addi %add3A_1367, %get3A_1369 : vector<16xi32>
    %get3A_1371 = arith.constant 160 : index
    %get3A_1372 = tpu.vector_load %arg7[%get3A_1371] {strides = array<i32>} : memref<256xi32, #tpu.memory_space<vmem>>, vector<16xi32>,
    %add3A_1373 = arith.addi %add3A_1370, %get3A_1372 : vector<16xi32>
    %get3A_1374 = arith.constant 176 : index
    %get3A_1375 = tpu.vector_load %arg7[%get3A_1374] {strides = array<i32>} : memref<256xi32, #tpu.memory_space<vmem>>, vector<16xi32>,
    %add3A_1376 = arith.addi %add3A_1373, %get3A_1375 : vector<16xi32>
    %get3A_1377 = arith.constant 192 : index
    %get3A_1378 = tpu.vector_load %arg7[%get3A_1377] {strides = array<i32>} : memref<256xi32, #tpu.memory_space<vmem>>, vector<16xi32>,
    %add3A_1379 = arith.addi %add3A_1376, %get3A_1378 : vector<16xi32>
    %get3A_1380 = arith.constant 208 : index
    %get3A_1381 = tpu.vector_load %arg7[%get3A_1380] {strides = array<i32>} : memref<256xi32, #tpu.memory_space<vmem>>, vector<16xi32>,
    %add3A_1382 = arith.addi %add3A_1379, %get3A_1381 : vector<16xi32>
    %get3A_1383 = arith.constant 224 : index
    %get3A_1384 = tpu.vector_load %arg7[%get3A_1383] {strides = array<i32>} : memref<256xi32, #tpu.memory_space<vmem>>, vector<16xi32>,
    %add3A_1385 = arith.addi %add3A_1382, %get3A_1384 : vector<16xi32>
    %get3A_1386 = arith.constant 240 : index
    %get3A_1387 = tpu.vector_load %arg7[%get3A_1386] {strides = array<i32>} : memref<256xi32, #tpu.memory_space<vmem>>, vector<16xi32>,
    %add3A_1388 = arith.addi %add3A_1385, %get3A_1387 : vector<16xi32>
    %gt3A = arith.constant 0 : i32
    %gt3A_1389 = vector.broadcast %gt3A : i32 to vector<16xi32>
    %gt3A_1390 = arith.cmpi sgt, %add3A_1388, %gt3A_1389 : vector<16xi32>
    %lt3A_1391 = arith.constant 11 : i32
    %lt3A_1392 = vector.broadcast %lt3A_1391 : i32 to vector<16xi32>
    %lt3A_1393 = arith.cmpi slt, %iota3A, %lt3A_1392 : vector<16xi32>
    %and3A_1394 = arith.andi %gt3A_1390, %lt3A_1393 : vector<16xi1>
    %convert_element_type3A = arith.extui %and3A_1394 : vector<16xi1> to vector<16xi32>
    %add3A_1395 = arith.constant 8 : i32
    %add3A_1396 = vector.broadcast %add3A_1395 : i32 to vector<16xi32>
    %add3A_1397 = arith.addi %iota3A, %add3A_1396 : vector<16xi32>
    %jit3A_1398 = arith.constant 16 : i32
    %eq3A_1399 = arith.constant 0 : i32
    %eq3A_1400 = arith.cmpi eq, %jit3A_1398, %eq3A_1399 : i32
    %jit3A_1401 = arith.constant 1 : i32
    %select_n3A_1402 = arith.select %eq3A_1400, %jit3A_1401, %jit3A_1398 : i32
    %rem3A_1403 = vector.broadcast %select_n3A_1402 : i32 to vector<16xi32>
    %rem3A_1404 = arith.remsi %add3A_1397, %rem3A_1403 : vector<16xi32>
    %ne3A_1405 = arith.constant 0 : i32
    %ne3A_1406 = vector.broadcast %ne3A_1405 : i32 to vector<16xi32>
    %ne3A_1407 = arith.cmpi ne, %rem3A_1404, %ne3A_1406 : vector<16xi32>
    %lt3A_1408 = arith.constant 0 : i32
    %lt3A_1409 = vector.broadcast %lt3A_1408 : i32 to vector<16xi32>
    %lt3A_1410 = arith.cmpi slt, %rem3A_1404, %lt3A_1409 : vector<16xi32>
    %lt3A_1411 = arith.constant 0 : i32
    %lt3A_1412 = arith.cmpi slt, %select_n3A_1402, %lt3A_1411 : i32
    %ne3A_1413 = vector.broadcast %lt3A_1412 : i1 to vector<16xi1>
    %ne3A_1414 = vector.broadcast %ne3A_1413 : vector<16xi1> to vector<16xi1>
    %ne3A_1415 = arith.xori %lt3A_1410, %ne3A_1414 : vector<16xi1>
    %and3A_1416 = arith.andi %ne3A_1415, %ne3A_1407 : vector<16xi1>
    %add3A_1417 = vector.broadcast %select_n3A_1402 : i32 to vector<16xi32>
    %add3A_1418 = arith.addi %rem3A_1404, %add3A_1417 : vector<16xi32>
    %select_n3A_1419 = arith.select %and3A_1416, %add3A_1418, %rem3A_1404 : vector<16xi1>, vector<16xi32>
    %broadcast_in_dim3A_1420 = vector.shape_cast %select_n3A_1419 : vector<16xi32> to vector<16x1xi32>
    %gather3A_1421 = vector.shape_cast %broadcast_in_dim3A_1420 : vector<16x1xi32> to vector<16xi32>
    %gather3A_1422 = tpu.dynamic_gather %convert_element_type3A[%gather3A_1421] in [0] : vector<16xi32>, vector<16xi32> -> vector<16xi32>
    %add3A_1423 = arith.addi %convert_element_type3A, %gather3A_1422 : vector<16xi32>
    %add3A_1424 = arith.constant 4 : i32
    %add3A_1425 = vector.broadcast %add3A_1424 : i32 to vector<16xi32>
    %add3A_1426 = arith.addi %iota3A, %add3A_1425 : vector<16xi32>
    %jit3A_1427 = arith.constant 16 : i32
    %eq3A_1428 = arith.constant 0 : i32
    %eq3A_1429 = arith.cmpi eq, %jit3A_1427, %eq3A_1428 : i32
    %jit3A_1430 = arith.constant 1 : i32
    %select_n3A_1431 = arith.select %eq3A_1429, %jit3A_1430, %jit3A_1427 : i32
    %rem3A_1432 = vector.broadcast %select_n3A_1431 : i32 to vector<16xi32>
    %rem3A_1433 = arith.remsi %add3A_1426, %rem3A_1432 : vector<16xi32>
    %ne3A_1434 = arith.constant 0 : i32
    %ne3A_1435 = vector.broadcast %ne3A_1434 : i32 to vector<16xi32>
    %ne3A_1436 = arith.cmpi ne, %rem3A_1433, %ne3A_1435 : vector<16xi32>
    %lt3A_1437 = arith.constant 0 : i32
    %lt3A_1438 = vector.broadcast %lt3A_1437 : i32 to vector<16xi32>
    %lt3A_1439 = arith.cmpi slt, %rem3A_1433, %lt3A_1438 : vector<16xi32>
    %lt3A_1440 = arith.constant 0 : i32
    %lt3A_1441 = arith.cmpi slt, %select_n3A_1431, %lt3A_1440 : i32
    %ne3A_1442 = vector.broadcast %lt3A_1441 : i1 to vector<16xi1>
    %ne3A_1443 = vector.broadcast %ne3A_1442 : vector<16xi1> to vector<16xi1>
    %ne3A_1444 = arith.xori %lt3A_1439, %ne3A_1443 : vector<16xi1>
    %and3A_1445 = arith.andi %ne3A_1444, %ne3A_1436 : vector<16xi1>
    %add3A_1446 = vector.broadcast %select_n3A_1431 : i32 to vector<16xi32>
    %add3A_1447 = arith.addi %rem3A_1433, %add3A_1446 : vector<16xi32>
    %select_n3A_1448 = arith.select %and3A_1445, %add3A_1447, %rem3A_1433 : vector<16xi1>, vector<16xi32>
    %broadcast_in_dim3A_1449 = vector.shape_cast %select_n3A_1448 : vector<16xi32> to vector<16x1xi32>
    %gather3A_1450 = vector.shape_cast %broadcast_in_dim3A_1449 : vector<16x1xi32> to vector<16xi32>
    %gather3A_1451 = tpu.dynamic_gather %add3A_1423[%gather3A_1450] in [0] : vector<16xi32>, vector<16xi32> -> vector<16xi32>
    %add3A_1452 = arith.addi %add3A_1423, %gather3A_1451 : vector<16xi32>
    %add3A_1453 = arith.constant 2 : i32
    %add3A_1454 = vector.broadcast %add3A_1453 : i32 to vector<16xi32>
    %add3A_1455 = arith.addi %iota3A, %add3A_1454 : vector<16xi32>
    %jit3A_1456 = arith.constant 16 : i32
    %eq3A_1457 = arith.constant 0 : i32
    %eq3A_1458 = arith.cmpi eq, %jit3A_1456, %eq3A_1457 : i32
    %jit3A_1459 = arith.constant 1 : i32
    %select_n3A_1460 = arith.select %eq3A_1458, %jit3A_1459, %jit3A_1456 : i32
    %rem3A_1461 = vector.broadcast %select_n3A_1460 : i32 to vector<16xi32>
    %rem3A_1462 = arith.remsi %add3A_1455, %rem3A_1461 : vector<16xi32>
    %ne3A_1463 = arith.constant 0 : i32
    %ne3A_1464 = vector.broadcast %ne3A_1463 : i32 to vector<16xi32>
    %ne3A_1465 = arith.cmpi ne, %rem3A_1462, %ne3A_1464 : vector<16xi32>
    %lt3A_1466 = arith.constant 0 : i32
    %lt3A_1467 = vector.broadcast %lt3A_1466 : i32 to vector<16xi32>
    %lt3A_1468 = arith.cmpi slt, %rem3A_1462, %lt3A_1467 : vector<16xi32>
    %lt3A_1469 = arith.constant 0 : i32
    %lt3A_1470 = arith.cmpi slt, %select_n3A_1460, %lt3A_1469 : i32
    %ne3A_1471 = vector.broadcast %lt3A_1470 : i1 to vector<16xi1>
    %ne3A_1472 = vector.broadcast %ne3A_1471 : vector<16xi1> to vector<16xi1>
    %ne3A_1473 = arith.xori %lt3A_1468, %ne3A_1472 : vector<16xi1>
    %and3A_1474 = arith.andi %ne3A_1473, %ne3A_1465 : vector<16xi1>
    %add3A_1475 = vector.broadcast %select_n3A_1460 : i32 to vector<16xi32>
    %add3A_1476 = arith.addi %rem3A_1462, %add3A_1475 : vector<16xi32>
    %select_n3A_1477 = arith.select %and3A_1474, %add3A_1476, %rem3A_1462 : vector<16xi1>, vector<16xi32>
    %broadcast_in_dim3A_1478 = vector.shape_cast %select_n3A_1477 : vector<16xi32> to vector<16x1xi32>
    %gather3A_1479 = vector.shape_cast %broadcast_in_dim3A_1478 : vector<16x1xi32> to vector<16xi32>
    %gather3A_1480 = tpu.dynamic_gather %add3A_1452[%gather3A_1479] in [0] : vector<16xi32>, vector<16xi32> -> vector<16xi32>
    %add3A_1481 = arith.addi %add3A_1452, %gather3A_1480 : vector<16xi32>
    %add3A_1482 = arith.constant 1 : i32
    %add3A_1483 = vector.broadcast %add3A_1482 : i32 to vector<16xi32>
    %add3A_1484 = arith.addi %iota3A, %add3A_1483 : vector<16xi32>
    %jit3A_1485 = arith.constant 16 : i32
    %eq3A_1486 = arith.constant 0 : i32
    %eq3A_1487 = arith.cmpi eq, %jit3A_1485, %eq3A_1486 : i32
    %jit3A_1488 = arith.constant 1 : i32
    %select_n3A_1489 = arith.select %eq3A_1487, %jit3A_1488, %jit3A_1485 : i32
    %rem3A_1490 = vector.broadcast %select_n3A_1489 : i32 to vector<16xi32>
    %rem3A_1491 = arith.remsi %add3A_1484, %rem3A_1490 : vector<16xi32>
    %ne3A_1492 = arith.constant 0 : i32
    %ne3A_1493 = vector.broadcast %ne3A_1492 : i32 to vector<16xi32>
    %ne3A_1494 = arith.cmpi ne, %rem3A_1491, %ne3A_1493 : vector<16xi32>
    %lt3A_1495 = arith.constant 0 : i32
    %lt3A_1496 = vector.broadcast %lt3A_1495 : i32 to vector<16xi32>
    %lt3A_1497 = arith.cmpi slt, %rem3A_1491, %lt3A_1496 : vector<16xi32>
    %lt3A_1498 = arith.constant 0 : i32
    %lt3A_1499 = arith.cmpi slt, %select_n3A_1489, %lt3A_1498 : i32
    %ne3A_1500 = vector.broadcast %lt3A_1499 : i1 to vector<16xi1>
    %ne3A_1501 = vector.broadcast %ne3A_1500 : vector<16xi1> to vector<16xi1>
    %ne3A_1502 = arith.xori %lt3A_1497, %ne3A_1501 : vector<16xi1>
    %and3A_1503 = arith.andi %ne3A_1502, %ne3A_1494 : vector<16xi1>
    %add3A_1504 = vector.broadcast %select_n3A_1489 : i32 to vector<16xi32>
    %add3A_1505 = arith.addi %rem3A_1491, %add3A_1504 : vector<16xi32>
    %select_n3A_1506 = arith.select %and3A_1503, %add3A_1505, %rem3A_1491 : vector<16xi1>, vector<16xi32>
    %broadcast_in_dim3A_1507 = vector.shape_cast %select_n3A_1506 : vector<16xi32> to vector<16x1xi32>
    %gather3A_1508 = vector.shape_cast %broadcast_in_dim3A_1507 : vector<16x1xi32> to vector<16xi32>
    %gather3A_1509 = tpu.dynamic_gather %add3A_1481[%gather3A_1508] in [0] : vector<16xi32>, vector<16xi32> -> vector<16xi32>
    %add3A_1510 = arith.addi %add3A_1481, %gather3A_1509 : vector<16xi32>
    %convert_element_type3A_1511 = arith.sitofp %add3A_1510 : vector<16xi32> to vector<16xf32>
    %gt3A_1512 = arith.constant 0 : i32
    %gt3A_1513 = vector.broadcast %gt3A_1512 : i32 to vector<16xi32>
    %gt3A_1514 = arith.cmpi sgt, %add3A_1388, %gt3A_1513 : vector<16xi32>
    %max3A = arith.constant 1 : i32
    %max3A_1515 = vector.broadcast %max3A : i32 to vector<16xi32>
    %max3A_1516 = arith.maxsi %add3A_1388, %max3A_1515 : vector<16xi32>
    %convert_element_type3A_1517 = arith.sitofp %max3A_1516 : vector<16xi32> to vector<16xf32>
    %div3A = arith.constant 1.000000e+00 : f32
    %div3A_1518 = vector.broadcast %div3A : f32 to vector<16xf32>
    %div3A_1519 = arith.divf %div3A_1518, %convert_element_type3A_1517 : vector<16xf32>
    %div3A_1520 = arith.divf %div3A_1519, %convert_element_type3A_1511 : vector<16xf32>
    %jit3A_1521 = arith.constant 0.000000e+00 : f32
    %broadcast_in_dim3A_1522 = vector.broadcast %jit3A_1521 : f32 to vector<16xf32>
    %select_n3A_1523 = arith.select %gt3A_1514, %div3A_1520, %broadcast_in_dim3A_1522 : vector<16xi1>, vector<16xf32>
    %broadcast_in_dim3A_1524 = arith.constant 0.000000e+00 : f32
    %broadcast_in_dim3A_1525 = vector.broadcast %broadcast_in_dim3A_1524 : f32 to vector<16xf32>
    %scan3A_1526 = arith.constant 0 : i32
    %scan3A_1527 = arith.constant 64 : i32
    %scan3A_1528 = arith.addi %scan3A_1526, %scan3A_1527 : i32
    %scan3A_1529 = arith.constant 1 : i32
    %scan3A_1530 = scf.for %scan3A_1544 = %scan3A_1526 to %scan3A_1528 step %scan3A_1529 iter_args(%scan3A_1545 = %broadcast_in_dim3A_1525) -> (vector<16xf32>)  : i32 {
      %mul3A_1546 = arith.constant 16 : i32
      %mul3A_1547 = arith.muli %scan3A_1544, %mul3A_1546 : i32
      %get3A_1548 = arith.index_cast %mul3A_1547 : i32 to index
      %get3A_1549 = tpu.vector_load %arg5[%get3A_1548] {strides = array<i32>} : memref<1024xf32, #tpu.memory_space<vmem>>, vector<16xf32>,
      %mul3A_1550 = arith.constant 16 : i32
      %mul3A_1551 = arith.muli %scan3A_1544, %mul3A_1550 : i32
      %get3A_1552 = arith.index_cast %mul3A_1551 : i32 to index
      %get3A_1553 = tpu.vector_load %arg6[%get3A_1552] {strides = array<i32>} : memref<1024xf32, #tpu.memory_space<vmem>>, vector<16xf32>,
      %broadcast_in_dim3A_1554 = arith.constant 0 : i32
      %broadcast_in_dim3A_1555 = vector.broadcast %broadcast_in_dim3A_1554 : i32 to vector<16xi32>
      %ge3A = arith.constant -5.000000e-02 : f32
      %ge3A_1556 = vector.broadcast %ge3A : f32 to vector<16xf32>
      %ge3A_1557 = arith.cmpf oge, %get3A_1549, %ge3A_1556 : vector<16xf32>
      %convert_element_type3A_1558 = arith.extui %ge3A_1557 : vector<16xi1> to vector<16xi32>
      %add3A_1559 = arith.addi %broadcast_in_dim3A_1555, %convert_element_type3A_1558 : vector<16xi32>
      %ge3A_1560 = arith.constant 5.000000e-02 : f32
      %ge3A_1561 = vector.broadcast %ge3A_1560 : f32 to vector<16xf32>
      %ge3A_1562 = arith.cmpf oge, %get3A_1549, %ge3A_1561 : vector<16xf32>
      %convert_element_type3A_1563 = arith.extui %ge3A_1562 : vector<16xi1> to vector<16xi32>
      %add3A_1564 = arith.addi %add3A_1559, %convert_element_type3A_1563 : vector<16xi32>
      %ge3A_1565 = arith.constant 1.500000e-01 : f32
      %ge3A_1566 = vector.broadcast %ge3A_1565 : f32 to vector<16xf32>
      %ge3A_1567 = arith.cmpf oge, %get3A_1549, %ge3A_1566 : vector<16xf32>
      %convert_element_type3A_1568 = arith.extui %ge3A_1567 : vector<16xi1> to vector<16xi32>
      %add3A_1569 = arith.addi %add3A_1564, %convert_element_type3A_1568 : vector<16xi32>
      %ge3A_1570 = arith.constant 2.500000e-01 : f32
      %ge3A_1571 = vector.broadcast %ge3A_1570 : f32 to vector<16xf32>
      %ge3A_1572 = arith.cmpf oge, %get3A_1549, %ge3A_1571 : vector<16xf32>
      %convert_element_type3A_1573 = arith.extui %ge3A_1572 : vector<16xi1> to vector<16xi32>
      %add3A_1574 = arith.addi %add3A_1569, %convert_element_type3A_1573 : vector<16xi32>
      %ge3A_1575 = arith.constant 3.500000e-01 : f32
      %ge3A_1576 = vector.broadcast %ge3A_1575 : f32 to vector<16xf32>
      %ge3A_1577 = arith.cmpf oge, %get3A_1549, %ge3A_1576 : vector<16xf32>
      %convert_element_type3A_1578 = arith.extui %ge3A_1577 : vector<16xi1> to vector<16xi32>
      %add3A_1579 = arith.addi %add3A_1574, %convert_element_type3A_1578 : vector<16xi32>
      %ge3A_1580 = arith.constant 4.500000e-01 : f32
      %ge3A_1581 = vector.broadcast %ge3A_1580 : f32 to vector<16xf32>
      %ge3A_1582 = arith.cmpf oge, %get3A_1549, %ge3A_1581 : vector<16xf32>
      %convert_element_type3A_1583 = arith.extui %ge3A_1582 : vector<16xi1> to vector<16xi32>
      %add3A_1584 = arith.addi %add3A_1579, %convert_element_type3A_1583 : vector<16xi32>
      %ge3A_1585 = arith.constant 5.500000e-01 : f32
      %ge3A_1586 = vector.broadcast %ge3A_1585 : f32 to vector<16xf32>
      %ge3A_1587 = arith.cmpf oge, %get3A_1549, %ge3A_1586 : vector<16xf32>
      %convert_element_type3A_1588 = arith.extui %ge3A_1587 : vector<16xi1> to vector<16xi32>
      %add3A_1589 = arith.addi %add3A_1584, %convert_element_type3A_1588 : vector<16xi32>
      %ge3A_1590 = arith.constant 6.500000e-01 : f32
      %ge3A_1591 = vector.broadcast %ge3A_1590 : f32 to vector<16xf32>
      %ge3A_1592 = arith.cmpf oge, %get3A_1549, %ge3A_1591 : vector<16xf32>
      %convert_element_type3A_1593 = arith.extui %ge3A_1592 : vector<16xi1> to vector<16xi32>
      %add3A_1594 = arith.addi %add3A_1589, %convert_element_type3A_1593 : vector<16xi32>
      %ge3A_1595 = arith.constant 7.500000e-01 : f32
      %ge3A_1596 = vector.broadcast %ge3A_1595 : f32 to vector<16xf32>
      %ge3A_1597 = arith.cmpf oge, %get3A_1549, %ge3A_1596 : vector<16xf32>
      %convert_element_type3A_1598 = arith.extui %ge3A_1597 : vector<16xi1> to vector<16xi32>
      %add3A_1599 = arith.addi %add3A_1594, %convert_element_type3A_1598 : vector<16xi32>
      %ge3A_1600 = arith.constant 8.500000e-01 : f32
      %ge3A_1601 = vector.broadcast %ge3A_1600 : f32 to vector<16xf32>
      %ge3A_1602 = arith.cmpf oge, %get3A_1549, %ge3A_1601 : vector<16xf32>
      %convert_element_type3A_1603 = arith.extui %ge3A_1602 : vector<16xi1> to vector<16xi32>
      %add3A_1604 = arith.addi %add3A_1599, %convert_element_type3A_1603 : vector<16xi32>
      %ge3A_1605 = arith.constant 0.949999988 : f32
      %ge3A_1606 = vector.broadcast %ge3A_1605 : f32 to vector<16xf32>
      %ge3A_1607 = arith.cmpf oge, %get3A_1549, %ge3A_1606 : vector<16xf32>
      %convert_element_type3A_1608 = arith.extui %ge3A_1607 : vector<16xi1> to vector<16xi32>
      %add3A_1609 = arith.addi %add3A_1604, %convert_element_type3A_1608 : vector<16xi32>
      %sub3A = arith.constant 1 : i32
      %sub3A_1610 = vector.broadcast %sub3A : i32 to vector<16xi32>
      %sub3A_1611 = arith.subi %add3A_1609, %sub3A_1610 : vector<16xi32>
      %max3A_1612 = arith.constant 0 : i32
      %max3A_1613 = vector.broadcast %max3A_1612 : i32 to vector<16xi32>
      %max3A_1614 = arith.maxsi %sub3A_1611, %max3A_1613 : vector<16xi32>
      %broadcast_in_dim3A_1615 = vector.shape_cast %max3A_1614 : vector<16xi32> to vector<16x1xi32>
      %gather3A_1616 = vector.shape_cast %broadcast_in_dim3A_1615 : vector<16x1xi32> to vector<16xi32>
      %gather3A_1617 = tpu.dynamic_gather %select_n3A_1523[%gather3A_1616] in [0] : vector<16xf32>, vector<16xi32> -> vector<16xf32>
      %mul3A_1618 = arith.mulf %get3A_1553, %gather3A_1617 : vector<16xf32>
      %add3A_1619 = arith.addf %scan3A_1545, %mul3A_1618 : vector<16xf32>
      scf.yield %add3A_1619 : vector<16xf32>
    }
    %scan3A_1531 = arith.constant 64 : i32
    %swap3A_1532 = arith.constant 0 : index
    %swap3A_1533 = tpu.vector_load %arg10[%swap3A_1532] {strides = array<i32>} : memref<16xf32, #tpu.memory_space<vmem>>, vector<16xf32>,
    tpu.vector_store %arg10[%swap3A_1532], %scan3A_1530 {strides = array<i32>} : memref<16xf32, #tpu.memory_space<vmem>>, vector<16xf32>,
    %mul3A_1534 = arith.constant 16 : i32
    %mul3A_1535 = arith.muli %arg1, %mul3A_1534 : i32
    "tpu.region"() ({
      %run_scoped3A = tpu.sem_alloc : memref<!tpu.dma_semaphore, #tpu.memory_space<semaphore_mem>>
      %dma_start3A = tpu.memref_slice %arg13[%mul3A_1535] : memref<256xf32, #tpu.memory_space<vmem_shared>> -> memref<16xf32, #tpu.memory_space<vmem_shared>>
      %dma_start3A_1544 = tpu.memref_slice %arg13[%mul3A_1535] : memref<256xf32, #tpu.memory_space<vmem_shared>> -> memref<16xf32, #tpu.memory_space<vmem_shared>>
      tpu.enqueue_dma source(%arg10 : memref<16xf32, #tpu.memory_space<vmem>>) target(%dma_start3A_1544 : memref<16xf32, #tpu.memory_space<vmem_shared>>) target_semaphore(%run_scoped3A : memref<!tpu.dma_semaphore, #tpu.memory_space<semaphore_mem>>)
      %dma_wait3A = tpu.memref_slice %arg13[%mul3A_1535] : memref<256xf32, #tpu.memory_space<vmem_shared>> -> memref<16xf32, #tpu.memory_space<vmem_shared>>
      %dma_wait3A_1545 = tpu.memref_slice %arg13[%mul3A_1535] : memref<256xf32, #tpu.memory_space<vmem_shared>> -> memref<16xf32, #tpu.memory_space<vmem_shared>>
      tpu.wait_dma2 semaphore(%run_scoped3A : memref<!tpu.dma_semaphore, #tpu.memory_space<semaphore_mem>>) src(%arg10 : memref<16xf32, #tpu.memory_space<vmem>>) dst(%dma_wait3A_1545 : memref<16xf32, #tpu.memory_space<vmem_shared>>)
      tpu.yield
    }) : () -> ()
    %barrier3A_1536 = arith.constant 0 : index
    tpu.barrier barrier_id(%barrier3A_1536)
    %eq3A_1537 = arith.constant 0 : i32
    %eq3A_1538 = arith.cmpi eq, %arg0, %eq3A_1537 : i32
    %eq3A_1539 = arith.constant 0 : i32
    %eq3A_1540 = arith.cmpi eq, %arg1, %eq3A_1539 : i32
    %and3A_1541 = arith.andi %eq3A_1538, %eq3A_1540 : i1
    %convert_element_type3A_1542 = arith.extui %and3A_1541 : i1 to i32
    %cond3A = arith.constant 0 : i32
    %cond3A_1543 = arith.cmpi ne, %convert_element_type3A_1542, %cond3A : i32
    scf.if %cond3A_1543 {
      "tpu.region"() ({
        %run_scoped3A = tpu.sem_alloc : memref<!tpu.dma_semaphore, #tpu.memory_space<semaphore_mem>>
        tpu.enqueue_dma source(%arg13 : memref<256xf32, #tpu.memory_space<vmem_shared>>) target(%arg8 : memref<256xf32, #tpu.memory_space<vmem>>) target_semaphore(%run_scoped3A : memref<!tpu.dma_semaphore, #tpu.memory_space<semaphore_mem>>)
        tpu.wait_dma2 semaphore(%run_scoped3A : memref<!tpu.dma_semaphore, #tpu.memory_space<semaphore_mem>>) src(%arg13 : memref<256xf32, #tpu.memory_space<vmem_shared>>) dst(%arg8 : memref<256xf32, #tpu.memory_space<vmem>>)
        tpu.yield
      }) : () -> ()
      %get3A_1544 = arith.constant 0 : index
      %get3A_1545 = tpu.vector_load %arg8[%get3A_1544] {strides = array<i32>} : memref<256xf32, #tpu.memory_space<vmem>>, vector<16xf32>,
      %get3A_1546 = arith.constant 16 : index
      %get3A_1547 = tpu.vector_load %arg8[%get3A_1546] {strides = array<i32>} : memref<256xf32, #tpu.memory_space<vmem>>, vector<16xf32>,
      %add3A_1548 = arith.addf %get3A_1545, %get3A_1547 : vector<16xf32>
      %get3A_1549 = arith.constant 32 : index
      %get3A_1550 = tpu.vector_load %arg8[%get3A_1549] {strides = array<i32>} : memref<256xf32, #tpu.memory_space<vmem>>, vector<16xf32>,
      %add3A_1551 = arith.addf %add3A_1548, %get3A_1550 : vector<16xf32>
      %get3A_1552 = arith.constant 48 : index
      %get3A_1553 = tpu.vector_load %arg8[%get3A_1552] {strides = array<i32>} : memref<256xf32, #tpu.memory_space<vmem>>, vector<16xf32>,
      %add3A_1554 = arith.addf %add3A_1551, %get3A_1553 : vector<16xf32>
      %get3A_1555 = arith.constant 64 : index
      %get3A_1556 = tpu.vector_load %arg8[%get3A_1555] {strides = array<i32>} : memref<256xf32, #tpu.memory_space<vmem>>, vector<16xf32>,
      %add3A_1557 = arith.addf %add3A_1554, %get3A_1556 : vector<16xf32>
      %get3A_1558 = arith.constant 80 : index
      %get3A_1559 = tpu.vector_load %arg8[%get3A_1558] {strides = array<i32>} : memref<256xf32, #tpu.memory_space<vmem>>, vector<16xf32>,
      %add3A_1560 = arith.addf %add3A_1557, %get3A_1559 : vector<16xf32>
      %get3A_1561 = arith.constant 96 : index
      %get3A_1562 = tpu.vector_load %arg8[%get3A_1561] {strides = array<i32>} : memref<256xf32, #tpu.memory_space<vmem>>, vector<16xf32>,
      %add3A_1563 = arith.addf %add3A_1560, %get3A_1562 : vector<16xf32>
      %get3A_1564 = arith.constant 112 : index
      %get3A_1565 = tpu.vector_load %arg8[%get3A_1564] {strides = array<i32>} : memref<256xf32, #tpu.memory_space<vmem>>, vector<16xf32>,
      %add3A_1566 = arith.addf %add3A_1563, %get3A_1565 : vector<16xf32>
      %get3A_1567 = arith.constant 128 : index
      %get3A_1568 = tpu.vector_load %arg8[%get3A_1567] {strides = array<i32>} : memref<256xf32, #tpu.memory_space<vmem>>, vector<16xf32>,
      %add3A_1569 = arith.addf %add3A_1566, %get3A_1568 : vector<16xf32>
      %get3A_1570 = arith.constant 144 : index
      %get3A_1571 = tpu.vector_load %arg8[%get3A_1570] {strides = array<i32>} : memref<256xf32, #tpu.memory_space<vmem>>, vector<16xf32>,
      %add3A_1572 = arith.addf %add3A_1569, %get3A_1571 : vector<16xf32>
      %get3A_1573 = arith.constant 160 : index
      %get3A_1574 = tpu.vector_load %arg8[%get3A_1573] {strides = array<i32>} : memref<256xf32, #tpu.memory_space<vmem>>, vector<16xf32>,
      %add3A_1575 = arith.addf %add3A_1572, %get3A_1574 : vector<16xf32>
      %get3A_1576 = arith.constant 176 : index
      %get3A_1577 = tpu.vector_load %arg8[%get3A_1576] {strides = array<i32>} : memref<256xf32, #tpu.memory_space<vmem>>, vector<16xf32>,
      %add3A_1578 = arith.addf %add3A_1575, %get3A_1577 : vector<16xf32>
      %get3A_1579 = arith.constant 192 : index
      %get3A_1580 = tpu.vector_load %arg8[%get3A_1579] {strides = array<i32>} : memref<256xf32, #tpu.memory_space<vmem>>, vector<16xf32>,
      %add3A_1581 = arith.addf %add3A_1578, %get3A_1580 : vector<16xf32>
      %get3A_1582 = arith.constant 208 : index
      %get3A_1583 = tpu.vector_load %arg8[%get3A_1582] {strides = array<i32>} : memref<256xf32, #tpu.memory_space<vmem>>, vector<16xf32>,
      %add3A_1584 = arith.addf %add3A_1581, %get3A_1583 : vector<16xf32>
      %get3A_1585 = arith.constant 224 : index
      %get3A_1586 = tpu.vector_load %arg8[%get3A_1585] {strides = array<i32>} : memref<256xf32, #tpu.memory_space<vmem>>, vector<16xf32>,
      %add3A_1587 = arith.addf %add3A_1584, %get3A_1586 : vector<16xf32>
      %get3A_1588 = arith.constant 240 : index
      %get3A_1589 = tpu.vector_load %arg8[%get3A_1588] {strides = array<i32>} : memref<256xf32, #tpu.memory_space<vmem>>, vector<16xf32>,
      %add3A_1590 = arith.addf %add3A_1587, %get3A_1589 : vector<16xf32>
      %add3A_1591 = arith.constant 8 : i32
      %add3A_1592 = vector.broadcast %add3A_1591 : i32 to vector<16xi32>
      %add3A_1593 = arith.addi %iota3A, %add3A_1592 : vector<16xi32>
      %jit3A_1594 = arith.constant 16 : i32
      %eq3A_1595 = arith.constant 0 : i32
      %eq3A_1596 = arith.cmpi eq, %jit3A_1594, %eq3A_1595 : i32
      %jit3A_1597 = arith.constant 1 : i32
      %select_n3A_1598 = arith.select %eq3A_1596, %jit3A_1597, %jit3A_1594 : i32
      %rem3A_1599 = vector.broadcast %select_n3A_1598 : i32 to vector<16xi32>
      %rem3A_1600 = arith.remsi %add3A_1593, %rem3A_1599 : vector<16xi32>
      %ne3A_1601 = arith.constant 0 : i32
      %ne3A_1602 = vector.broadcast %ne3A_1601 : i32 to vector<16xi32>
      %ne3A_1603 = arith.cmpi ne, %rem3A_1600, %ne3A_1602 : vector<16xi32>
      %lt3A_1604 = arith.constant 0 : i32
      %lt3A_1605 = vector.broadcast %lt3A_1604 : i32 to vector<16xi32>
      %lt3A_1606 = arith.cmpi slt, %rem3A_1600, %lt3A_1605 : vector<16xi32>
      %lt3A_1607 = arith.constant 0 : i32
      %lt3A_1608 = arith.cmpi slt, %select_n3A_1598, %lt3A_1607 : i32
      %ne3A_1609 = vector.broadcast %lt3A_1608 : i1 to vector<16xi1>
      %ne3A_1610 = vector.broadcast %ne3A_1609 : vector<16xi1> to vector<16xi1>
      %ne3A_1611 = arith.xori %lt3A_1606, %ne3A_1610 : vector<16xi1>
      %and3A_1612 = arith.andi %ne3A_1611, %ne3A_1603 : vector<16xi1>
      %add3A_1613 = vector.broadcast %select_n3A_1598 : i32 to vector<16xi32>
      %add3A_1614 = arith.addi %rem3A_1600, %add3A_1613 : vector<16xi32>
      %select_n3A_1615 = arith.select %and3A_1612, %add3A_1614, %rem3A_1600 : vector<16xi1>, vector<16xi32>
      %broadcast_in_dim3A_1616 = vector.shape_cast %select_n3A_1615 : vector<16xi32> to vector<16x1xi32>
      %gather3A_1617 = vector.shape_cast %broadcast_in_dim3A_1616 : vector<16x1xi32> to vector<16xi32>
      %gather3A_1618 = tpu.dynamic_gather %add3A_1590[%gather3A_1617] in [0] : vector<16xf32>, vector<16xi32> -> vector<16xf32>
      %add3A_1619 = arith.addf %add3A_1590, %gather3A_1618 : vector<16xf32>
      %add3A_1620 = arith.constant 4 : i32
      %add3A_1621 = vector.broadcast %add3A_1620 : i32 to vector<16xi32>
      %add3A_1622 = arith.addi %iota3A, %add3A_1621 : vector<16xi32>
      %jit3A_1623 = arith.constant 16 : i32
      %eq3A_1624 = arith.constant 0 : i32
      %eq3A_1625 = arith.cmpi eq, %jit3A_1623, %eq3A_1624 : i32
      %jit3A_1626 = arith.constant 1 : i32
      %select_n3A_1627 = arith.select %eq3A_1625, %jit3A_1626, %jit3A_1623 : i32
      %rem3A_1628 = vector.broadcast %select_n3A_1627 : i32 to vector<16xi32>
      %rem3A_1629 = arith.remsi %add3A_1622, %rem3A_1628 : vector<16xi32>
      %ne3A_1630 = arith.constant 0 : i32
      %ne3A_1631 = vector.broadcast %ne3A_1630 : i32 to vector<16xi32>
      %ne3A_1632 = arith.cmpi ne, %rem3A_1629, %ne3A_1631 : vector<16xi32>
      %lt3A_1633 = arith.constant 0 : i32
      %lt3A_1634 = vector.broadcast %lt3A_1633 : i32 to vector<16xi32>
      %lt3A_1635 = arith.cmpi slt, %rem3A_1629, %lt3A_1634 : vector<16xi32>
      %lt3A_1636 = arith.constant 0 : i32
      %lt3A_1637 = arith.cmpi slt, %select_n3A_1627, %lt3A_1636 : i32
      %ne3A_1638 = vector.broadcast %lt3A_1637 : i1 to vector<16xi1>
      %ne3A_1639 = vector.broadcast %ne3A_1638 : vector<16xi1> to vector<16xi1>
      %ne3A_1640 = arith.xori %lt3A_1635, %ne3A_1639 : vector<16xi1>
      %and3A_1641 = arith.andi %ne3A_1640, %ne3A_1632 : vector<16xi1>
      %add3A_1642 = vector.broadcast %select_n3A_1627 : i32 to vector<16xi32>
      %add3A_1643 = arith.addi %rem3A_1629, %add3A_1642 : vector<16xi32>
      %select_n3A_1644 = arith.select %and3A_1641, %add3A_1643, %rem3A_1629 : vector<16xi1>, vector<16xi32>
      %broadcast_in_dim3A_1645 = vector.shape_cast %select_n3A_1644 : vector<16xi32> to vector<16x1xi32>
      %gather3A_1646 = vector.shape_cast %broadcast_in_dim3A_1645 : vector<16x1xi32> to vector<16xi32>
      %gather3A_1647 = tpu.dynamic_gather %add3A_1619[%gather3A_1646] in [0] : vector<16xf32>, vector<16xi32> -> vector<16xf32>
      %add3A_1648 = arith.addf %add3A_1619, %gather3A_1647 : vector<16xf32>
      %add3A_1649 = arith.constant 2 : i32
      %add3A_1650 = vector.broadcast %add3A_1649 : i32 to vector<16xi32>
      %add3A_1651 = arith.addi %iota3A, %add3A_1650 : vector<16xi32>
      %jit3A_1652 = arith.constant 16 : i32
      %eq3A_1653 = arith.constant 0 : i32
      %eq3A_1654 = arith.cmpi eq, %jit3A_1652, %eq3A_1653 : i32
      %jit3A_1655 = arith.constant 1 : i32
      %select_n3A_1656 = arith.select %eq3A_1654, %jit3A_1655, %jit3A_1652 : i32
      %rem3A_1657 = vector.broadcast %select_n3A_1656 : i32 to vector<16xi32>
      %rem3A_1658 = arith.remsi %add3A_1651, %rem3A_1657 : vector<16xi32>
      %ne3A_1659 = arith.constant 0 : i32
      %ne3A_1660 = vector.broadcast %ne3A_1659 : i32 to vector<16xi32>
      %ne3A_1661 = arith.cmpi ne, %rem3A_1658, %ne3A_1660 : vector<16xi32>
      %lt3A_1662 = arith.constant 0 : i32
      %lt3A_1663 = vector.broadcast %lt3A_1662 : i32 to vector<16xi32>
      %lt3A_1664 = arith.cmpi slt, %rem3A_1658, %lt3A_1663 : vector<16xi32>
      %lt3A_1665 = arith.constant 0 : i32
      %lt3A_1666 = arith.cmpi slt, %select_n3A_1656, %lt3A_1665 : i32
      %ne3A_1667 = vector.broadcast %lt3A_1666 : i1 to vector<16xi1>
      %ne3A_1668 = vector.broadcast %ne3A_1667 : vector<16xi1> to vector<16xi1>
      %ne3A_1669 = arith.xori %lt3A_1664, %ne3A_1668 : vector<16xi1>
      %and3A_1670 = arith.andi %ne3A_1669, %ne3A_1661 : vector<16xi1>
      %add3A_1671 = vector.broadcast %select_n3A_1656 : i32 to vector<16xi32>
      %add3A_1672 = arith.addi %rem3A_1658, %add3A_1671 : vector<16xi32>
      %select_n3A_1673 = arith.select %and3A_1670, %add3A_1672, %rem3A_1658 : vector<16xi1>, vector<16xi32>
      %broadcast_in_dim3A_1674 = vector.shape_cast %select_n3A_1673 : vector<16xi32> to vector<16x1xi32>
      %gather3A_1675 = vector.shape_cast %broadcast_in_dim3A_1674 : vector<16x1xi32> to vector<16xi32>
      %gather3A_1676 = tpu.dynamic_gather %add3A_1648[%gather3A_1675] in [0] : vector<16xf32>, vector<16xi32> -> vector<16xf32>
      %add3A_1677 = arith.addf %add3A_1648, %gather3A_1676 : vector<16xf32>
      %add3A_1678 = arith.constant 1 : i32
      %add3A_1679 = vector.broadcast %add3A_1678 : i32 to vector<16xi32>
      %add3A_1680 = arith.addi %iota3A, %add3A_1679 : vector<16xi32>
      %jit3A_1681 = arith.constant 16 : i32
      %eq3A_1682 = arith.constant 0 : i32
      %eq3A_1683 = arith.cmpi eq, %jit3A_1681, %eq3A_1682 : i32
      %jit3A_1684 = arith.constant 1 : i32
      %select_n3A_1685 = arith.select %eq3A_1683, %jit3A_1684, %jit3A_1681 : i32
      %rem3A_1686 = vector.broadcast %select_n3A_1685 : i32 to vector<16xi32>
      %rem3A_1687 = arith.remsi %add3A_1680, %rem3A_1686 : vector<16xi32>
      %ne3A_1688 = arith.constant 0 : i32
      %ne3A_1689 = vector.broadcast %ne3A_1688 : i32 to vector<16xi32>
      %ne3A_1690 = arith.cmpi ne, %rem3A_1687, %ne3A_1689 : vector<16xi32>
      %lt3A_1691 = arith.constant 0 : i32
      %lt3A_1692 = vector.broadcast %lt3A_1691 : i32 to vector<16xi32>
      %lt3A_1693 = arith.cmpi slt, %rem3A_1687, %lt3A_1692 : vector<16xi32>
      %lt3A_1694 = arith.constant 0 : i32
      %lt3A_1695 = arith.cmpi slt, %select_n3A_1685, %lt3A_1694 : i32
      %ne3A_1696 = vector.broadcast %lt3A_1695 : i1 to vector<16xi1>
      %ne3A_1697 = vector.broadcast %ne3A_1696 : vector<16xi1> to vector<16xi1>
      %ne3A_1698 = arith.xori %lt3A_1693, %ne3A_1697 : vector<16xi1>
      %and3A_1699 = arith.andi %ne3A_1698, %ne3A_1690 : vector<16xi1>
      %add3A_1700 = vector.broadcast %select_n3A_1685 : i32 to vector<16xi32>
      %add3A_1701 = arith.addi %rem3A_1687, %add3A_1700 : vector<16xi32>
      %select_n3A_1702 = arith.select %and3A_1699, %add3A_1701, %rem3A_1687 : vector<16xi1>, vector<16xi32>
      %broadcast_in_dim3A_1703 = vector.shape_cast %select_n3A_1702 : vector<16xi32> to vector<16x1xi32>
      %gather3A_1704 = vector.shape_cast %broadcast_in_dim3A_1703 : vector<16x1xi32> to vector<16xi32>
      %gather3A_1705 = tpu.dynamic_gather %add3A_1677[%gather3A_1704] in [0] : vector<16xf32>, vector<16xi32> -> vector<16xf32>
      %add3A_1706 = arith.addf %add3A_1677, %gather3A_1705 : vector<16xf32>
      %eq3A_1707 = arith.constant 0 : i32
      %eq3A_1708 = vector.broadcast %eq3A_1707 : i32 to vector<16xi32>
      %eq3A_1709 = arith.cmpi eq, %iota3A, %eq3A_1708 : vector<16xi32>
      %jit3A_1710 = arith.constant 0.000000e+00 : f32
      %broadcast_in_dim3A_1711 = vector.broadcast %jit3A_1710 : f32 to vector<16xf32>
      %select_n3A_1712 = arith.select %eq3A_1709, %add3A_1706, %broadcast_in_dim3A_1711 : vector<16xi1>, vector<16xf32>
      %swap3A_1713 = arith.constant 0 : index
      %swap3A_1714 = tpu.vector_load %arg11[%swap3A_1713] {strides = array<i32>} : memref<16xf32, #tpu.memory_space<vmem>>, vector<16xf32>,
      tpu.vector_store %arg11[%swap3A_1713], %select_n3A_1712 {strides = array<i32>} : memref<16xf32, #tpu.memory_space<vmem>>, vector<16xf32>,
      "tpu.region"() ({
        %run_scoped3A = tpu.sem_alloc : memref<!tpu.dma_semaphore, #tpu.memory_space<semaphore_mem>>
        tpu.enqueue_dma source(%arg11 : memref<16xf32, #tpu.memory_space<vmem>>) target(%arg4 : memref<16xf32, #tpu.memory_space<hbm>>) target_semaphore(%run_scoped3A : memref<!tpu.dma_semaphore, #tpu.memory_space<semaphore_mem>>)
        tpu.wait_dma2 semaphore(%run_scoped3A : memref<!tpu.dma_semaphore, #tpu.memory_space<semaphore_mem>>) src(%arg11 : memref<16xf32, #tpu.memory_space<vmem>>) dst(%arg4 : memref<16xf32, #tpu.memory_space<hbm>>)
        tpu.yield
      }) : () -> ()
    } else {
    }
    return
  }
}

module attributes {stable_mosaic.version = 14 : i64} {
  func.func @_stage1_body(%arg0: i32, %arg1: memref<1000x2048xf32, #tpu.memory_space<vmem>>, %arg2: memref<2048xi32, #tpu.memory_space<vmem>>, %arg3: memref<2048xf32, #tpu.memory_space<vmem>>, %arg4: memref<2048xf32, #tpu.memory_space<vmem>>) attributes {dimension_semantics = [#tpu.dimension_semantics<arbitrary>], iteration_bounds = array<i64: 8>, scalar_prefetch = 0 : i64, scratch_operands = 0 : i64, tpu.core_type = #tpu.core_type<tc>, window_params = [{transform_indices = @transform_0, window_bounds = array<i64: 1000, 2048>}, {transform_indices = @transform_1, window_bounds = array<i64: 2048>}, {transform_indices = @transform_2, window_bounds = array<i64: 2048>}, {transform_indices = @transform_3, window_bounds = array<i64: 2048>}]} {
    %get3A = arith.constant 0 : index
    %get3A_0 = arith.constant 0 : index
    %get3A_1 = vector.load %arg1[%get3A, %get3A_0] : memref<1000x2048xf32, #tpu.memory_space<vmem>>, vector<1000x2048xf32>
    %get3A_2 = arith.constant 0 : index
    %get3A_3 = vector.load %arg2[%get3A_2] : memref<2048xi32, #tpu.memory_space<vmem>>, vector<2048xi32>
    %exp3A = math.exp %get3A_1 : vector<1000x2048xf32>
    %reduce_sum3A = arith.constant dense<0.000000e+00> : vector<2048xf32>
    %reduce_sum3A_4 = vector.multi_reduction <add>, %exp3A, %reduce_sum3A [0] : vector<1000x2048xf32> to vector<2048xf32>
    %iota3A = tpu.iota {dimensions = array<i32: 0>} : vector<1000x2048xi32>
    %broadcast_in_dim3A = vector.shape_cast %get3A_3 : vector<2048xi32> to vector<1x2048xi32>
    %eq3A = vector.broadcast %broadcast_in_dim3A : vector<1x2048xi32> to vector<1000x2048xi32>
    %eq3A_5 = arith.cmpi eq, %iota3A, %eq3A : vector<1000x2048xi32>
    %jit3A = arith.constant 0.000000e+00 : f32
    %broadcast_in_dim3A_6 = vector.broadcast %jit3A : f32 to vector<1000x2048xf32>
    %select_n3A = arith.select %eq3A_5, %get3A_1, %broadcast_in_dim3A_6 : vector<1000x2048xi1>, vector<1000x2048xf32>
    %reduce_sum3A_7 = arith.constant dense<0.000000e+00> : vector<2048xf32>
    %reduce_sum3A_8 = vector.multi_reduction <add>, %select_n3A, %reduce_sum3A_7 [0] : vector<1000x2048xf32> to vector<2048xf32>
    %exp3A_9 = math.exp %reduce_sum3A_8 : vector<2048xf32>
    %div3A = arith.divf %exp3A_9, %reduce_sum3A_4 : vector<2048xf32>
    %sub3A = arith.constant 1.000000e+00 : f32
    %sub3A_10 = vector.broadcast %sub3A : f32 to vector<2048xf32>
    %sub3A_11 = arith.subf %sub3A_10, %div3A : vector<2048xf32>
    %swap3A = arith.constant 0 : index
    %swap3A_12 = vector.load %arg3[%swap3A] : memref<2048xf32, #tpu.memory_space<vmem>>, vector<2048xf32>
    tpu.vector_store %arg3[%swap3A], %sub3A_11 {strides = array<i32>} : memref<2048xf32, #tpu.memory_space<vmem>>, vector<2048xf32>,
    %neg3A = arith.constant 0.000000e+00 : f32
    %neg3A_13 = vector.broadcast %neg3A : f32 to vector<2048xf32>
    %neg3A_14 = arith.subf %neg3A_13, %reduce_sum3A_8 : vector<2048xf32>
    %add3A = arith.constant 9.99999993E-9 : f32
    %add3A_15 = vector.broadcast %add3A : f32 to vector<2048xf32>
    %add3A_16 = arith.addf %reduce_sum3A_4, %add3A_15 : vector<2048xf32>
    %log3A = math.log %add3A_16 : vector<2048xf32>
    %add3A_17 = arith.addf %neg3A_14, %log3A : vector<2048xf32>
    %swap3A_18 = arith.constant 0 : index
    %swap3A_19 = vector.load %arg4[%swap3A_18] : memref<2048xf32, #tpu.memory_space<vmem>>, vector<2048xf32>
    tpu.vector_store %arg4[%swap3A_18], %add3A_17 {strides = array<i32>} : memref<2048xf32, #tpu.memory_space<vmem>>, vector<2048xf32>,
    return
  }
  func.func @transform_0(%arg0: i32) -> (i32, i32) {
    %c0_i32 = arith.constant 0 : i32
    %c0_i32_0 = arith.constant 0 : i32
    return %c0_i32, %arg0 : i32, i32
  }
  func.func @transform_1(%arg0: i32) -> i32 {
    %c0_i32 = arith.constant 0 : i32
    return %arg0 : i32
  }
  func.func @transform_2(%arg0: i32) -> i32 {
    %c0_i32 = arith.constant 0 : i32
    return %arg0 : i32
  }
  func.func @transform_3(%arg0: i32) -> i32 {
    %c0_i32 = arith.constant 0 : i32
    return %arg0 : i32
  }
}

</mosaic_0001>

<sc_bundles>
// kernel: kernel.4.cloned.1.call-start
scs
__scs_entry_jumppad:
0x0: {  	(pc) =	sbr.rel $0x88, $3  }
0x1: {  	(tag) =	ssettag $0x0;
	lr =	simm.s32 $0x1  }
0x2: {  	[smem:$0x3F9F] =	sst lr;
	_ =	strace $0xD0000000  }
0x3: {  	_ = 	snop  }
0x4: {  	_ = 	snop  }
0x5: {  	_ = 	snop  }
0x6: {  	_ = 	snop  }
0x7: {  	_ = 	snop  }
__scs_overlays_trampoline_lowered:
0x8: {  	[smem:$0x3FAE] =	sst s0  }
0x9: {  	[smem:$0x3FAF] =	sst s1  }
0xa: {  	[smem:$0x3FB0] =	sst s2  }
0xb: {  	[smem:$0x3FB1] =	sst s3  }
0xc: {  	[smem:$0x3FB2] =	sst s4  }
0xd: {  	[smem:$0x3FB3] =	sst s5  }
0xe: {  	[smem:$0x3FB4] =	sst s6  }
0xf: {  	[smem:$0x3FB5] =	sst s7  }
0x10: {  	[smem:$0x3FB6] =	sst s8  }
0x11: {  	[smem:$0x3FB7] =	sst s9;
	s0 =	simm.s32 @!p0 $0x0  }
0x12: {  	s1 =	sld [smem:$0x3F9D];
	s0 =	simm.s32 @p0 $0x1  }
0x13: {  	[smem:$0x3FB8] =	sst s0;
	s0 =	simm.s32 @!p1 $0x0  }
0x14: {  	s2 =	sld [smem:$0x3F9C];
	s0 =	simm.s32 @p1 $0x1  }
0x15: {  	[smem:$0x3FB9] =	sst s0;
	s0 =	simm.s32 @!p2 $0x0  }
0x16: {  	s3 =	sld [smem:$0x3FDB];
	s0 =	simm.s32 @p2 $0x1  }
0x17: {  	s4 =	simm.s32 $0x1BF5;
	[smem:$0x3FBB] =	sst s0  }
0x18: {  	s0 =	sld [smem:$0x3F9E];
	_ =	swait.ge [sflag:s4], $0x0  }
0x19: {  	s7 =	sld [smem:$0x3F9F]  }
0x1a: {  	s8 =	sadd.s32 $0xFFFFE003, lr  }
0x1b: {  	s9 =	sadd.s32 $0xFFFFFEF7, lr;
	s5 =	simm.s32 $0xFFFFFFFF;
	p2 =	slt.u32 s8, $0xFFFFF086  }
0x1c: {  	p1 =	slt.u32 s9, $0xF7A;
	s5 =	simm.s32 @!p2 $0x0  }
0x1d: {  	s5 =	simm.s32 @p1 $0x1;
	p0 =	seq.s32 s7, s2  }
0x1e: {  	s7 =	smul.u32 @!p0 $0xF7A, s2;
	p2 =	seq.s32 @!p0 s5, $0x0  }
0x1f: {  	s9 =	smul.u32 $0xF7A, s1;
	s8 =	simm.s32 @!p0 $0x1BF5;
	p2 =	por !p2, p0  }
0x20: {  	[sflag:s8] =	ssyncset.s32 @!p0 $0xFFFFF086;
	s6 =	sadd.s32 @!p0 s3, s7;
	s7 =	simm.s32 @!p0 $0x108  }
0x21: {  	s3 =	sadd.s32 s3, s9;
	s6 =	sadd.s32 @!p0 $0x88, s6;
	s7 =	simm.s32 @p2 $0x1082  }
0x22: {  	[simem:s7], [sflag:s8] =	dma.local @!p0 [hbm:s6], $0xF7A  }
0x23: {  	s9 =	sor.u32 $0xD0000000, s2;
	s6 =	simm.s32 $0x108;
	_ =	swait.ge @!p0 [sflag:s8], $0x0  }
0x24: {  	s3 =	sadd.s32 $0x88, s3;
	s6 =	simm.s32 @!p1 $0x1082;
	[sflag:s4] =	ssyncset.s32 $0xFFFFF086  }
0x25: {  	[simem:s6], [sflag:s4] =	dma.local [hbm:s3], $0xF7A  }
0x26: {  	[smem:$0x3F9F] =	sst s1;
	(tag) =	ssettag s2;
	_ =	strace s9  }
0x27: {  	s1 =	sld [smem:$0x3FAF]  }
0x28: {  	s2 =	sld [smem:$0x3FB0]  }
0x29: {  	s4 =	sld [smem:$0x3FB2]  }
0x2a: {  	p0 =	seq.s32 s5, $0x0;
	s5 =	sld [smem:$0x3FB3]  }
0x2b: {  	s6 =	sld [smem:$0x3FB4]  }
0x2c: {  	s7 =	sld [smem:$0x3FB5]  }
0x2d: {  	s3 =	simm.s32 $0x108;
	s8 =	sld [smem:$0x3FB6]  }
0x2e: {  	s3 =	simm.s32 @!p0 $0x1082;
	s9 =	sld [smem:$0x3FB7]  }
0x2f: {  	lr =	sadd.s32 s0, s3;
	s0 =	sld [smem:$0x3FAE]  }
0x30: {  	s3 =	sld [smem:$0x3FB1]  }
0x31: {  	[smem:$0x3FBA] =	sst s10  }
0x32: {  	s10 =	sld [smem:$0x3FB8];
	_ =	sdelay $0x3  }
0x33: {  	p0 =	seq.s32 s10, $0x1;
	s10 =	sld [smem:$0x3FBA];
	_ =	sdelay $0x3  }
0x34: {  	[smem:$0x3FBA] =	sst s10  }
0x35: {  	s10 =	sld [smem:$0x3FB9];
	_ =	sdelay $0x3  }
0x36: {  	p1 =	seq.s32 s10, $0x1;
	s10 =	sld [smem:$0x3FBA];
	_ =	sdelay $0x3  }
0x37: {  	[smem:$0x3FBA] =	sst s10  }
0x38: {  	s10 =	sld [smem:$0x3FBB]  }
0x39: {  	_ = 	snop;
	(pc) =	sbr.ind lr, $3  }
0x3a: {  	_ = 	snop  }
0x3b: {  	_ = 	snop  }
0x3c: {  	p2 =	seq.s32 s10, $0x1;
	s10 =	sld [smem:$0x3FBA]  }
0x3d: {  	_ =	shalt  }
0x3e: {  	_ =	shalt  }
0x3f: {  	_ =	shalt  }
0x40: {  	_ =	shalt  }
0x41: {  	_ =	shalt  }
0x42: {  	_ =	shalt  }
0x43: {  	_ =	shalt  }
0x44: {  	_ =	shalt  }
0x45: {  	_ =	shalt  }
0x46: {  	_ =	shalt  }
0x47: {  	_ =	shalt  }
0x48: {  	_ =	shalt  }
0x49: {  	_ =	shalt  }
0x4a: {  	_ =	shalt  }
0x4b: {  	_ =	shalt  }
0x4c: {  	_ =	shalt  }
0x4d: {  	_ =	shalt  }
0x4e: {  	_ =	shalt  }
0x4f: {  	_ =	shalt  }
0x50: {  	_ =	shalt  }
0x51: {  	_ =	shalt  }
0x52: {  	_ =	shalt  }
0x53: {  	_ =	shalt  }
0x54: {  	_ =	shalt  }
0x55: {  	_ =	shalt  }
0x56: {  	_ =	shalt  }
0x57: {  	_ =	shalt  }
0x58: {  	_ =	shalt  }
0x59: {  	_ =	shalt  }
0x5a: {  	_ =	shalt  }
0x5b: {  	_ =	shalt  }
0x5c: {  	_ =	shalt  }
0x5d: {  	_ =	shalt  }
0x5e: {  	_ =	shalt  }
0x5f: {  	_ =	shalt  }
0x60: {  	_ =	shalt  }
0x61: {  	_ =	shalt  }
0x62: {  	_ =	shalt  }
0x63: {  	_ =	shalt  }
0x64: {  	_ =	shalt  }
0x65: {  	_ =	shalt  }
0x66: {  	_ =	shalt  }
0x67: {  	_ =	shalt  }
0x68: {  	_ =	shalt  }
0x69: {  	_ =	shalt  }
0x6a: {  	_ =	shalt  }
0x6b: {  	_ =	shalt  }
0x6c: {  	_ =	shalt  }
0x6d: {  	_ =	shalt  }
0x6e: {  	_ =	shalt  }
0x6f: {  	_ =	shalt  }
0x70: {  	_ =	shalt  }
0x71: {  	_ =	shalt  }
0x72: {  	_ =	shalt  }
0x73: {  	_ =	shalt  }
0x74: {  	_ =	shalt  }
0x75: {  	_ =	shalt  }
0x76: {  	_ =	shalt  }
0x77: {  	_ =	shalt  }
0x78: {  	_ =	shalt  }
0x79: {  	_ =	shalt  }
0x7a: {  	_ =	shalt  }
0x7b: {  	_ =	shalt  }
0x7c: {  	_ =	shalt  }
0x7d: {  	_ =	shalt  }
0x7e: {  	_ =	shalt  }
0x7f: {  	_ =	shalt  }
0x80: {  	_ =	shalt  }
0x81: {  	_ =	shalt  }
0x82: {  	_ =	shalt  }
0x83: {  	_ =	shalt  }
0x84: {  	_ =	shalt  }
0x85: {  	_ =	shalt  }
0x86: {  	_ =	shalt  }
0x87: {  	_ =	shalt  }
.Lfunc_end0:
.L_simem_size_0:
called_computation_lowered:
.L_overlay_start_0:
0x88: {  	s2 =	sld [smem:$0x3FD9]  }
0x89: {  	s3 =	sld [smem:$0x3FFE];
	_ =	sdelay $0x1  }
0x8a: {  	s1 =	srdreg.scid  }
0x8b: {  	s0 =	sand.u32 $0x1, s1  }
0x8c: {  	s17 =	sshll.u32 s0, $0xA;
	s2 =	sadd.s32 s3, s2  }
0x8d: {  	s2 =	sadd.s32 s2, s17  }
0x8e: {  	[smem:$0x3FC6] =	sst s2  }
0x8f: {  	_ = 	snop  }
0x90: {  	s2 =	sld [smem:$0x3FD0];
	(tm) =	ssettm $0x1  }
0x91: {  	s18 =	sld [smem:$0x3FFB];
	_ =	sdelay $0x3  }
0x92: {  	_ =	strace s18  }
0x93: {  	s3 =	sld [smem:$0x3FFC];
	_ =	sdelay $0x3  }
0x94: {  	_ =	strace s3  }
0x95: {  	s3 =	sld [smem:$0x3FFD];
	_ =	sdelay $0x3  }
0x96: {  	_ =	strace s3  }
0x97: {  	_ =	strace $0x8FFFFFFF  }
0x98: {  	s19 =	sld [smem:$0x3FDB];
	_ =	sdelay $0x1  }
0x99: {  	s4 =	simm.s32 $_scs_section_size  }
0x9a: {  	s5 =	simm.s32 $_size__tile_overlayer_lowered;
	s6 =	simm.s32 $_tile_overlayer_lowered  }
0x9b: {  	s22 =	simm.s32 $0x1BFF;
	s21 =	sshll.u32 s6, $0x1;
	s3 =	sadd.s32 s4, s19  }
0x9c: {  	s7 =	simm.s32 $0x0;
	s20 =	sshll.u32 s5, $0x1;
	s5 =	sadd.s32 s21, s3  }
0x9d: {  	[timem:s7], [sflag:s22] =	dma.local [hbm:s5], s20  }
0x9e: {  	_ =	swait.ge [sflag:s22], s20  }
0x9f: {  	s4 =	ssub.s32 $0x0, s20;
	[sflag:s22] =	ssyncset.done $0x0  }
0xa0: {  	[sflag:s22] =	ssyncadd.s32 s4;
	_ =	sdelay $0x1  }
0xa1: {  	s23 =	simm.s32 $0x1B8B  }
0xa2: {  	_ =	swait.ge [sflag:s23], $0x1  }
0xa3: {  	[sflag:s23] =	ssyncset.done $0x0  }
0xa4: {  	s25 =	simm.s32 $0x1B8E;
	s24 =	sld [smem:$0x3FFE];
	[sflag:s23] =	ssyncadd.s32 $0xFFFFFFFF  }
0xa5: {  	s26 =	simm.s32 $execute0_lowered;
	[smem:$0x3FD2] =	sst s25  }
0xa6: {  	s5 =	sshll.u32 s26, $0x1;
	_ =	strace $0x80000046;
	[dreg:$0x1] =	wrdreg $0xFFFFFFFF  }
0xa7: {  	s28 =	simm.s32 $_size_execute0_lowered;
	s3 =	sadd.s32 s3, s5;
	[dreg:$0x0] =	wrdreg $0x0  }
0xa8: {  	s5 =	sshll.u32 s28, $0x1;
	[dreg:$0x2] =	wrdreg s3  }
0xa9: {  	[dreg:$0x3] =	wrdreg s5  }
0xaa: {  	[dreg:$0x4] =	wrdreg $0xC0  }
0xab: {  	_ =	task [dreg:s7], $0x5FFFF  }
0xac: {  	[dreg:$0x1] =	wrdreg $0xFFFFFFFF  }
0xad: {  	[dreg:$0x0] =	wrdreg $0x60  }
0xae: {  	[dreg:$0x2] =	wrdreg s24  }
0xaf: {  	[dreg:$0x3] =	wrdreg s2  }
0xb0: {  	[dreg:$0x4] =	wrdreg $0xB800  }
0xb1: {  	[dreg:$0x5] =	wrdreg $0xB900  }
0xb2: {  	[dreg:$0x6] =	wrdreg $0x9  }
0xb3: {  	_ =	task.clear_ibuf [dreg:s7], $0x7FFFF;
	_ =	strace $0x90000046  }
0xb4: {  	s29 =	simm.s32 $0x9;
	_ =	strace $0x80000048  }
0xb5: {  	_ =	swait.ge [sflag:s29], $0x1  }
0xb6: {  	[sflag:s29] =	ssyncadd.s32 $0xFFFFFFFF  }
0xb7: {  	_ =	strace $0x90000048  }
0xb8: {  	_ =	sfence  }
0xb9: {  	s30 =	sld [smem:$0x0];
	_ =	sdelay $0x2  }
0xba: {  	s31 =	sshll.u32 s1, $0xD;
	s1 =	sshrl.u32 s1, $0x2  }
0xbb: {  	s3 =	sand.u32 $0x4000, s31;
	s1 =	sadd.s32 s1, s30  }
0xbc: {  	s0 =	sor.u32 s3, s0;
	s1 =	sshll.u32 s1, $0x11  }
0xbd: {  	s0 =	sor.u32 s1, s0  }
0xbe: {  	s0 =	sadd.s32 $0x8F2B, s0  }
0xbf: {  	[sflag:s0] =	ssyncadd.remote.s32 $0x1  }
0xc0: {  	_ =	sfence.sel $0xFFFF  }
0xc1: {  	[dreg:$0x0] =	wrdreg $0xFFFFFFFF;
	(pc) =	sbr.abs _section_cstart, $3  }
0xc2: {  	[dreg:$0x1] =	wrdreg $0xFFFFFFFF  }
0xc3: {  	_ =	task.clear_ibuf [dreg:s7], $0x2FFFF;
	_ =	strace $0x9FFFFFFF  }
0xc4: {  	(tm) =	ssettm $0x7FFFFFFF  }
0xc5: {  	_ =	shalt  }
tec
execute0_lowered:
.L_overlay_start_1:
0x0: {  	(tag) =	ssettag $0x1  }
0x1: {  	v0 =	vimm.s32 $0xFEDCBA98;
	v1 =	vimm.s32 $0x76543210;
	s6 =	rddreg [dreg:$0x0]  }
0x2: {  	v3 =	vimm.s32 $0xBA987654;
	v4 =	vimm.s32 $0x10FEDCBA;
	s0 =	rddreg [dreg:$0x1];
	v5 =	vimm.s32 $0x98765432  }
0x3: {  	v6 =	vimm.s32 $0xFEDCBA9;
	v7 =	vimm.s32 $0x87654321;
	s1 =	rddreg [dreg:$0x2];
	vm0 =	vmmov $0x1  }
0x4: {  	s3 =	rddreg [dreg:$0x3];
	s5 =	srdreg.scid;
	vm9 =	vcmask $0x232C;
	vm10 =	vcmask $0x272C;
	v0 =	vunpack.c.l.s4.s8 v0  }
0x5: {  	s2 =	rddreg [dreg:$0x4];
	s4 =	simm.s32 $0x0;
	s12 =	simm.s32 $0x400;
	v1 =	vunpack.c.l.s4.s8 v1;
	v3 =	vunpack.c.l.s4.s8 v3;
	v4 =	vunpack.c.l.s4.s8 v4  }
0x6: {  	s13 =	simm.s32 $0xA00;
	s14 =	simm.s32 $0x800;
	s16 =	simm.s32 $0x900;
	v5 =	vunpack.c.l.s4.s8 v5;
	v2 =	vunpack.c.0.s8.s32 v0;
	v0 =	vimm.s32 $0x3210FEDC  }
0x7: {  	s17 =	simm.s32 $0xB00;
	s18 =	simm.s32 $0x0;
	v6 =	vunpack.c.l.s4.s8 v6;
	v7 =	vunpack.c.l.s4.s8 v7;
	s10 =	sand.u32 $0x1, s5;
	v0 =	vunpack.c.l.s4.s8 v0  }
0x8: {  	[smem:$0x7FF] =	sst s4;
	s5 =	stileid.u32;
	s7 =	ssub.s32 $0x2, s10;
	v3 =	vunpack.c.0.s8.s32 v3;
	v4 =	vunpack.c.0.s8.s32 v4;
	v5 =	vunpack.c.0.s8.s32 v5  }
0x9: {  	_ =	strace $0x80000047;
	s8 =	sshll.u32 s5, $0x7;
	s31 =	sshll.u32 s5, $0x4;
	v6 =	vunpack.c.0.s8.s32 v6;
	v7 =	vunpack.c.0.s8.s32 v7;
	v0 =	vunpack.c.0.s8.s32 v0  }
0xa: {  	vm11 =	vmmov $0x7ff;
	s15 =	sor.u32 s5, s10;
	v8 =	vunpack.c.0.s8.s32 v1;
	s9 =	sshrl.u32 s7, $0x1;
	s8 =	sadd.s32 s8, s6;
	v1 =	vcombine.low v5, v4  }
0xb: {  	p0 =	sne.s32 s15, $0x0;
	s15 =	simm.s32 $0xA80;
	s11 =	ssub.s32 s7, s9;
	v9 =	vand.u32 $0xF, v2;
	v2 =	vcombine.low v7, v6;
	v0 =	vcombine.low v3, v0  }
0xc: {  	s6 =	sadd.s32 $0xC00, s8;
	s7 =	sadd.s32 $0x1400, s8;
	s8 =	sadd.s32 s31, s1;
	v4 =	vcombine.low v9, v8;
	v8 =	vimm.s32 $0x1;
	v6 =	vand.u32 $0xF, v1  }
0xd: {  	s9 =	sadd.s32 s31, s3;
	s10 =	smax.u32 s11, $0x1;
	s11 =	simm.s32 $0x1;
	v7 =	vand.u32 $0xF, v2;
	v3 =	vimm.s32 $0x0;
	v5 =	vand.u32 $0xF, v0  }
.LBB2_1:
0xe: {  	[tilespmem:s4], [sflag:$0x1] =	stream.linear.gather [hbm4b:s6+s4], $0x400, $0x38;
	[tilespmem:$0xBA0] =	vst v63  }
0xf: {  	_ =	swait.ge [sflag:s11], $0x400  }
0x10: {  	[sflag:s11] =	ssyncset.done $0x0  }
0x11: {  	[sflag:s11] =	ssyncadd.s32 $0xFFFFFC00  }
0x12: {  	[tilespmem:s12], [sflag:$0x1] =	stream.linear.gather [hbm4b:s7+s4], $0x400, $0x38;
	[tilespmem:$0xBA0] =	vst v63  }
0x13: {  	_ =	swait.ge [sflag:s11], $0x400  }
0x14: {  	[sflag:s11] =	ssyncset.done $0x0  }
0x15: {  	s19 =	simm.s32 $0x0;
	[sflag:s11] =	ssyncadd.s32 $0xFFFFFC00  }
0x16: {  	v10 =	vld [tilespmem:s19+$0x0];
	_ =	sdelay $0x1  }
0x17: {  	v19 =	vimm.s32 $0x0  }
0x18: {  	v11 =	vimm.s32 $0x0;
	v12 =	vimm.s32 $0x0;
	v13 =	vimm.s32 $0x0  }
0x19: {  	v14 =	vimm.s32 $0x0;
	v15 =	vimm.s32 $0x0;
	v18 =	vimm.s32 $0x0  }
0x1a: {  	v16 =	vimm.s32 $0x0;
	v17 =	vimm.s32 $0x0;
	vm13 =	vge.f32 v10, $-5.000000070e-02  }
0x1b: {  	vm14 =	vge.f32 v10, $8.500000230e-01;
	vm12 =	vge.f32 v10, $9.499999880e-01;
	vm15 =	vge.f32 v10, $5.000000070e-02  }
0x1c: {  	vm1 =	vge.f32 v10, $1.500000060e-01;
	vm3 =	vge.f32 v10, $2.500000000e-01;
	vm4 =	vge.f32 v10, $3.499999940e-01  }
0x1d: {  	vm5 =	vge.f32 v10, $5.500000120e-01;
	vm6 =	vge.f32 v10, $6.499999760e-01;
	vm7 =	vge.f32 v10, $7.500000000e-01  }
0x1e: {  	vm2 =	vmxor vm12, vm14;
	vm8 =	vmxor vm15, vm13;
	vm15 =	vmxor vm1, vm15  }
0x1f: {  	vm1 =	vmxor vm3, vm1;
	vm3 =	vmxor vm4, vm3;
	vm13 =	vmxor vm7, vm6  }
0x20: {  	vm14 =	vmxor vm14, vm7;
	v9 =	vsel vm2, $0x1, v3;
	vm2 =	vge.f32 v10, $4.499999880e-01  }
0x21: {  	v26 =	vsel vm8, $0x1, v3;
	v21 =	vsel vm15, $0x1, v3;
	v22 =	vsel vm1, $0x1, v3  }
0x22: {  	v20 =	vsel vm3, $0x1, v3;
	v10 =	vimm.s32 $0x0;
	v9 =	vadd.s32 v9, v3  }
0x23: {  	vm4 =	vmxor vm2, vm4;
	vm2 =	vmxor vm5, vm2;
	vm5 =	vmxor vm6, vm5  }
0x24: {  	s20 =	simm.s32 $0x10;
	s19 =	simm.s32 $0x80;
	v24 =	vsel vm4, $0x1, v3;
	v25 =	vsel vm2, $0x1, v3;
	v23 =	vsel vm5, $0x1, v3  }
.LBB2_2:
0x25: {  	p1 =	sne.s32 s19, $0xFC0;
	v27 =	vld [tilespmem:s20+$0x0];
	v28 =	vsel vm13, $0x1, v3;
	v29 =	vsel vm14, $0x1, v3;
	v30 =	vsel vm12, $0x1, v3  }
0x26: {  	v19 =	vadd.s32 v26, v19;
	v11 =	vadd.s32 v21, v11;
	v12 =	vadd.s32 v22, v12  }
0x27: {  	v13 =	vadd.s32 v20, v13;
	v14 =	vadd.s32 v24, v14;
	v15 =	vadd.s32 v25, v15  }
0x28: {  	v10 =	vadd.s32 v23, v10;
	v18 =	vadd.s32 v28, v18;
	v16 =	vadd.s32 v29, v16  }
0x29: {  	v17 =	vadd.s32 v30, v17  }
0x2a: {  	vm1 =	vge.f32 v27, $-5.000000070e-02;
	vm2 =	vge.f32 v27, $8.500000230e-01;
	vm12 =	vge.f32 v27, $9.499999880e-01  }
0x2b: {  	vm3 =	vge.f32 v27, $5.000000070e-02;
	vm4 =	vge.f32 v27, $1.500000060e-01;
	vm5 =	vmxor vm12, vm2  }
0x2c: {  	vm6 =	vge.f32 v27, $2.500000000e-01;
	vm7 =	vge.f32 v27, $3.499999940e-01;
	v20 =	vsel vm5, $0x1, v3  }
0x2d: {  	vm8 =	vge.f32 v27, $5.500000120e-01;
	vm5 =	vge.f32 v27, $4.499999880e-01;
	v9 =	vadd.s32 v20, v9  }
0x2e: {  	vm13 =	vge.f32 v27, $6.499999760e-01;
	vm14 =	vge.f32 v27, $7.500000000e-01;
	vm1 =	vmxor vm3, vm1  }
.Ltmp0:
0x2f: {  	vm3 =	vmxor vm4, vm3;
	vm4 =	vmxor vm6, vm4;
	vm6 =	vmxor vm7, vm6;
	(pc) =	sbr.rel @p1 .LBB2_2-.Ltmp0, $4  }
0x30: {  	vm7 =	vmxor vm5, vm7;
	vm5 =	vmxor vm8, vm5;
	vm8 =	vmxor vm13, vm8  }
0x31: {  	v26 =	vsel vm1, $0x1, v3;
	vm13 =	vmxor vm14, vm13;
	vm14 =	vmxor vm2, vm14  }
0x32: {  	v21 =	vsel vm3, $0x1, v3;
	v22 =	vsel vm4, $0x1, v3;
	v20 =	vsel vm6, $0x1, v3  }
0x33: {  	s20 =	sshra.s32 s19, $0x2;
	s19 =	sadd.s32 $0x40, s19;
	v24 =	vsel vm7, $0x1, v3;
	v25 =	vsel vm5, $0x1, v3;
	v23 =	vsel vm8, $0x1, v3  }
0x34: {  	v27 =	vld [tilespmem:s20+$0x0]  }
0x35: {  	v28 =	vsel vm13, $0x1, v3;
	v29 =	vsel vm14, $0x1, v3  }
0x36: {  	v30 =	vsel vm12, $0x1, v3;
	v19 =	vadd.s32 v26, v19;
	v11 =	vadd.s32 v21, v11  }
0x37: {  	v12 =	vadd.s32 v22, v12;
	v13 =	vadd.s32 v20, v13;
	v14 =	vadd.s32 v24, v14  }
0x38: {  	v15 =	vadd.s32 v25, v15;
	v10 =	vadd.s32 v23, v10;
	v18 =	vadd.s32 v28, v18  }
0x39: {  	v16 =	vadd.s32 v29, v16;
	v17 =	vadd.s32 v30, v17;
	vm1 =	vge.f32 v27, $-5.000000070e-02  }
0x3a: {  	vm2 =	vge.f32 v27, $8.500000230e-01;
	vm12 =	vge.f32 v27, $9.499999880e-01;
	vm3 =	vge.f32 v27, $5.000000070e-02  }
0x3b: {  	vm4 =	vge.f32 v27, $1.500000060e-01;
	vm5 =	vge.f32 v27, $2.500000000e-01;
	vm6 =	vge.f32 v27, $3.499999940e-01  }
0x3c: {  	vm7 =	vge.f32 v27, $4.499999880e-01;
	vm8 =	vge.f32 v27, $5.500000120e-01;
	vm13 =	vge.f32 v27, $6.499999760e-01  }
0x3d: {  	vm14 =	vge.f32 v27, $7.500000000e-01;
	vm1 =	vmxor vm3, vm1;
	vm3 =	vmxor vm4, vm3  }
0x3e: {  	vm4 =	vmxor vm5, vm4;
	vm5 =	vmxor vm6, vm5;
	vm6 =	vmxor vm7, vm6  }
0x3f: {  	vm7 =	vmxor vm8, vm7;
	vm8 =	vmxor vm13, vm8;
	vm13 =	vmxor vm14, vm13  }
0x40: {  	vm14 =	vmxor vm2, vm14;
	vm2 =	vmxor vm12, vm2;
	v40 =	vsel vm12, $0x1, v3  }
0x41: {  	v61 =	vsel vm2, $0x1, v3;
	v31 =	vsel vm1, $0x1, v3;
	v32 =	vsel vm3, $0x1, v3  }
0x42: {  	v33 =	vsel vm4, $0x1, v3;
	v34 =	vsel vm5, $0x1, v3;
	v62 =	vsel vm6, $0x1, v3  }
0x43: {  	v35 =	vsel vm7, $0x1, v3;
	v63 =	vsel vm8, $0x1, v3;
	v36 =	vsel vm13, $0x1, v3  }
0x44: {  	v39 =	vsel vm14, $0x1, v3;
	vm1 =	vcmask $0x32C;
	v57 =	vadd.s32 v40, v17  }
0x45: {  	v19 =	vadd.s32 v31, v19;
	v11 =	vadd.s32 v32, v11;
	v12 =	vadd.s32 v33, v12  }
0x46: {  	v13 =	vadd.s32 v34, v13;
	v14 =	vadd.s32 v62, v14;
	v37 =	vperm.xlane v19, v4  }
0x47: {  	v15 =	vadd.s32 v35, v15;
	v38 =	vperm.xlane v11, v4;
	v42 =	vperm.xlane v12, v4  }
0x48: {  	v10 =	vadd.s32 v63, v10;
	v44 =	vperm.xlane v13, v4;
	v45 =	vperm.xlane v14, v4  }
0x49: {  	v48 =	vperm.xlane v15, v4;
	v53 =	vperm.xlane v10, v4;
	v19 =	vadd.s32 v19, v37  }
0x4a: {  	v11 =	vadd.s32 v11, v38;
	v12 =	vadd.s32 v12, v42;
	v13 =	vadd.s32 v13, v44  }
0x4b: {  	v14 =	vadd.s32 v14, v45;
	v37 =	vperm.xlane v19, v5;
	v20 =	vperm.xlane v11, v5  }
0x4c: {  	v15 =	vadd.s32 v15, v48;
	v23 =	vperm.xlane v12, v5;
	v24 =	vperm.xlane v13, v5  }
0x4d: {  	v10 =	vadd.s32 v10, v53;
	v49 =	vperm.xlane v14, v5;
	v51 =	vperm.xlane v15, v5  }
0x4e: {  	v56 =	vperm.xlane v10, v5;
	v19 =	vadd.s32 v37, v19;
	v11 =	vadd.s32 v20, v11  }
0x4f: {  	v12 =	vadd.s32 v23, v12;
	v13 =	vadd.s32 v24, v13;
	v41 =	vperm.xlane v19, v6  }
0x50: {  	v14 =	vadd.s32 v49, v14;
	v20 =	vperm.xlane v11, v6;
	v47 =	vperm.xlane v12, v6  }
0x51: {  	v15 =	vadd.s32 v51, v15;
	v50 =	vperm.xlane v13, v6;
	v52 =	vperm.xlane v14, v6  }
0x52: {  	v55 =	vperm.xlane v15, v6;
	v19 =	vadd.s32 v41, v19;
	v11 =	vadd.s32 v20, v11  }
0x53: {  	v12 =	vadd.s32 v47, v12;
	v13 =	vadd.s32 v50, v13;
	v43 =	vperm.xlane v19, v7  }
0x54: {  	v14 =	vadd.s32 v52, v14;
	v46 =	vperm.xlane v11, v7;
	v25 =	vperm.xlane v12, v7  }
0x55: {  	v15 =	vadd.s32 v55, v15;
	v54 =	vperm.xlane v13, v7;
	v19 =	vadd.s32 v43, v19  }
0x56: {  	v11 =	vadd.s32 v46, v11;
	v12 =	vadd.s32 v25, v12;
	v19 =	vnsel vm0, $0x0, v19  }
0x57: {  	v13 =	vadd.s32 v54, v13;
	v11 =	vsel vm1, v19, v11;
	vm1 =	vcmask $0x72C  }
0x58: {  	v11 =	vsel vm1, v11, v12;
	v12 =	vperm.xlane v14, v7;
	vm1 =	vcmask $0xB2C  }
0x59: {  	v18 =	vadd.s32 v36, v18;
	v11 =	vsel vm1, v11, v13;
	v13 =	vperm.xlane v15, v7  }
0x5a: {  	v10 =	vadd.s32 v56, v10;
	vm1 =	vcmask $0xF2C;
	v12 =	vadd.s32 v12, v14  }
0x5b: {  	v14 =	vadd.s32 v39, v16;
	v11 =	vsel vm1, v11, v12;
	v12 =	vadd.s32 v13, v15  }
0x5c: {  	v13 =	vperm.xlane v10, v6;
	v15 =	vperm.xlane v18, v4;
	vm1 =	vcmask $0x132C  }
0x5d: {  	v9 =	vadd.s32 v61, v9;
	v11 =	vsel vm1, v11, v12;
	v12 =	vperm.xlane v14, v4  }
0x5e: {  	v10 =	vadd.s32 v13, v10;
	v13 =	vadd.s32 v18, v15;
	v15 =	vperm.xlane v9, v4  }
0x5f: {  	vm1 =	vcmask $0x172C;
	v58 =	vperm.xlane v13, v5;
	v12 =	vadd.s32 v14, v12  }
0x60: {  	v14 =	vperm.xlane v57, v4;
	v59 =	vperm.xlane v10, v7;
	v9 =	vadd.s32 v9, v15  }
0x61: {  	v60 =	vperm.xlane v12, v5;
	v13 =	vadd.s32 v58, v13;
	v15 =	vperm.xlane v9, v5  }
0x62: {  	v14 =	vadd.s32 v57, v14;
	v10 =	vadd.s32 v59, v10;
	v61 =	vperm.xlane v13, v6  }
0x63: {  	v12 =	vadd.s32 v60, v12;
	v62 =	vperm.xlane v14, v5;
	v10 =	vsel vm1, v11, v10  }
0x64: {  	v63 =	vperm.xlane v12, v6;
	v9 =	vadd.s32 v15, v9;
	v13 =	vadd.s32 v61, v13  }
0x65: {  	v15 =	vperm.xlane v9, v6;
	v14 =	vadd.s32 v62, v14;
	v16 =	vperm.xlane v13, v7  }
0x66: {  	vm1 =	vcmask $0x1B2C;
	v12 =	vadd.s32 v63, v12;
	v17 =	vperm.xlane v14, v6  }
0x67: {  	v11 =	vperm.xlane v12, v7;
	v9 =	vadd.s32 v15, v9;
	v13 =	vadd.s32 v16, v13  }
0x68: {  	v15 =	vperm.xlane v9, v7;
	v14 =	vadd.s32 v17, v14;
	v10 =	vsel vm1, v10, v13  }
0x69: {  	v11 =	vadd.s32 v11, v12;
	v12 =	vperm.xlane v14, v7;
	vm1 =	vcmask $0x1F2C  }
0x6a: {  	v10 =	vsel vm1, v10, v11;
	v9 =	vadd.s32 v15, v9  }
0x6b: {  	v9 =	vsel vm9, v10, v9;
	v10 =	vadd.s32 v12, v14  }
0x6c: {  	v9 =	vsel vm10, v9, v10  }
0x6d: {  	[tilespmem:$0xA00] =	vst v9  }
0x6e: {  	[spmem:s8] =	stream.linear.scatter [tilespmem:s13], [sflag:$0x1], $0x10, $0x38;
	[tilespmem:$0xBA0] =	vst v63  }
0x6f: {  	_ =	swait.ge [sflag:s11], $0x10  }
0x70: {  	[sflag:s11] =	ssyncset.done $0x0  }
0x71: {  	[sflag:s11] =	ssyncadd.s32 $0xFFFFFFF0  }
0x72: {  	[bflag:$0x0] =	sbarrier.arrive $0xFFFF  }
0x73: {  	[tilespmem:s14], [sflag:$0x1] =	stream.linear.gather [spmem:s1], $0x100, $0x38;
	[tilespmem:$0xBA0] =	vst v63  }
0x74: {  	_ =	swait.ge [sflag:s11], $0x100  }
0x75: {  	[sflag:s11] =	ssyncset.done $0x0  }
0x76: {  	[sflag:s11] =	ssyncadd.s32 $0xFFFFFF00  }
0x77: {  	v9 =	vld [tilespmem:$0x800]  }
0x78: {  	v10 =	vld [tilespmem:$0x810]  }
0x79: {  	v11 =	vld [tilespmem:$0x820]  }
0x7a: {  	v12 =	vld [tilespmem:$0x830]  }
0x7b: {  	v13 =	vld [tilespmem:$0x840]  }
0x7c: {  	v14 =	vld [tilespmem:$0x850]  }
0x7d: {  	v9 =	vadd.s32 v9, v10;
	v10 =	vld [tilespmem:$0x860]  }
0x7e: {  	v9 =	vadd.s32 v11, v9;
	v11 =	vld [tilespmem:$0x870]  }
0x7f: {  	v9 =	vadd.s32 v12, v9;
	v12 =	vld [tilespmem:$0x880]  }
0x80: {  	v9 =	vadd.s32 v13, v9;
	v13 =	vld [tilespmem:$0x890]  }
0x81: {  	v9 =	vadd.s32 v14, v9;
	v14 =	vld [tilespmem:$0x8A0]  }
0x82: {  	v9 =	vadd.s32 v10, v9;
	v10 =	vld [tilespmem:$0x8B0]  }
0x83: {  	v9 =	vadd.s32 v11, v9;
	v11 =	vld [tilespmem:$0x8C0]  }
0x84: {  	v9 =	vadd.s32 v12, v9;
	v12 =	vld [tilespmem:$0x8D0]  }
0x85: {  	v9 =	vadd.s32 v13, v9;
	v13 =	vld [tilespmem:$0x8E0]  }
0x86: {  	v9 =	vadd.s32 v14, v9;
	v14 =	vld [tilespmem:$0x8F0]  }
0x87: {  	v9 =	vadd.s32 v10, v9  }
0x88: {  	v9 =	vadd.s32 v11, v9  }
0x89: {  	v9 =	vadd.s32 v12, v9  }
0x8a: {  	v9 =	vadd.s32 v13, v9  }
0x8b: {  	v9 =	vadd.s32 v14, v9  }
0x8c: {  	vm1 =	vgt.s32 v9, $0x0  }
0x8d: {  	vm2 =	vmand vm1, vm11  }
0x8e: {  	v10 =	vsel vm2, $0x1, v3  }
0x8f: {  	v11 =	vperm.xlane v10, v4;
	_ =	sdelay $0x1  }
0x90: {  	v10 =	vadd.s32 v10, v11  }
0x91: {  	v11 =	vperm.xlane v10, v5;
	_ =	sdelay $0x1  }
0x92: {  	v10 =	vadd.s32 v11, v10  }
0x93: {  	v11 =	vperm.xlane v10, v6;
	_ =	sdelay $0x1  }
0x94: {  	v10 =	vadd.s32 v11, v10  }
0x95: {  	vm2 =	vgt.s32 v9, $0x1;
	v11 =	vperm.xlane v10, v7  }
0x96: {  	v9 =	vnsel vm2, $0x1, v9  }
0x97: {  	v9 =	vcvt.s32.f32 v9;
	v10 =	vadd.s32 v11, v10  }
0x98: {  	v10 =	vcvt.s32.f32 v10  }
0x99: {  	(erf) = vrcp.f32 v9  }
0x9a: {  	(erf) = vrcp.f32 v10;
	_ =	sdelay $0x4  }
0x9b: {  	s19 =	simm.s32 $0x0  }
0x9c: {  	v11 =	vld [tilespmem:s19+$0x0];
	_ =	sdelay $0x1  }
0x9d: {  	v9 =	vpop (erf)  }
0x9e: {  	v10 =	vpop (erf)  }
0x9f: {  	v9 =	vmul.f32 v10, v9  }
0xa0: {  	vm2 =	vge.f32 v11, $-5.000000070e-02  }
0xa1: {  	vm12 =	vge.f32 v11, $7.500000000e-01;
	v9 =	vnsel vm1, $0x0, v9;
	vm1 =	vge.f32 v11, $5.000000070e-02  }
0xa2: {  	v12 =	vsel vm2, $0x1, v3;
	v13 =	vsel vm1, $0x1, v3;
	vm1 =	vge.f32 v11, $1.500000060e-01  }
0xa3: {  	v12 =	vadd.s32 v13, v12;
	v13 =	vsel vm1, $0x1, v3;
	vm1 =	vge.f32 v11, $2.500000000e-01  }
0xa4: {  	v14 =	vsel vm1, $0x1, v3;
	vm1 =	vge.f32 v11, $3.499999940e-01;
	v12 =	vadd.s32 v13, v12  }
0xa5: {  	v12 =	vadd.s32 v14, v12;
	v13 =	vsel vm1, $0x1, v3;
	vm1 =	vge.f32 v11, $4.499999880e-01  }
0xa6: {  	s20 =	simm.s32 $0x10;
	v14 =	vsel vm1, $0x1, v3;
	vm1 =	vge.f32 v11, $5.500000120e-01;
	v12 =	vadd.s32 v13, v12  }
0xa7: {  	v13 =	vadd.s32 v14, v12;
	v14 =	vsel vm1, $0x1, v3;
	vm1 =	vge.f32 v11, $6.499999760e-01;
	v12 =	vld [tilespmem:s20+$0x0]  }
0xa8: {  	s21 =	simm.s32 $0x80;
	v10 =	vimm.f32 $0.0e+00;
	v13 =	vadd.s32 v14, v13;
	v14 =	vsel vm1, $0x1, v3  }
.LBB2_4:
0xa9: {  	p1 =	sne.s32 s21, $0xFC0;
	v13 =	vadd.s32 v14, v13;
	v14 =	vsel vm12, $0x1, v3;
	vm1 =	vge.f32 v11, $8.500000230e-01  }
0xaa: {  	v13 =	vadd.s32 v14, v13;
	v14 =	vsel vm1, $0x1, v3;
	vm1 =	vge.f32 v11, $9.499999880e-01  }
0xab: {  	v15 =	vadd.s32 v14, v13;
	v13 =	vsel vm1, $0x1, v3  }
0xac: {  	vm12 =	vge.f32 v12, $5.500000120e-01;
	v14 =	vld [tilespmem:s19+$0x400];
	v13 =	vadd.s32 v13, v15;
	v11 =	vmov v12;
	s19 =	smov.u32 s20  }
0xad: {  	vm1 =	vge.f32 v11, $1.500000060e-01;
	vm2 =	vge.f32 v11, $3.499999940e-01;
	v12 =	vmax.u32 v13, $0x1  }
0xae: {  	vm3 =	vge.f32 v11, $-5.000000070e-02;
	vm4 =	vge.f32 v11, $5.000000070e-02;
	v12 =	vsub.s32 v12, v8  }
0xaf: {  	v13 =	vsel vm3, $0x1, v3;
	v15 =	vsel vm4, $0x1, v3;
	v12 =	vperm.xlane v9, v12  }
0xb0: {  	v13 =	vadd.s32 v15, v13;
	v15 =	vsel vm1, $0x1, v3;
	vm1 =	vge.f32 v11, $2.500000000e-01  }
.Ltmp1:
0xb1: {  	v13 =	vadd.s32 v15, v13;
	v15 =	vsel vm1, $0x1, v3;
	v12 =	vmul.f32 v12, v14;
	(pc) =	sbr.rel @p1 .LBB2_4-.Ltmp1, $4  }
0xb2: {  	vm1 =	vge.f32 v11, $4.499999880e-01;
	v13 =	vadd.s32 v15, v13;
	v14 =	vsel vm2, $0x1, v3  }
0xb3: {  	s20 =	sshra.s32 s21, $0x2;
	v13 =	vadd.s32 v14, v13;
	v14 =	vsel vm1, $0x1, v3;
	v10 =	vadd.f32 v12, v10  }
0xb4: {  	vm1 =	vge.f32 v11, $6.499999760e-01;
	v13 =	vadd.s32 v14, v13;
	v14 =	vsel vm12, $0x1, v3;
	v12 =	vld [tilespmem:s20+$0x0]  }
0xb5: {  	s21 =	sadd.s32 $0x40, s21;
	vm12 =	vge.f32 v11, $7.500000000e-01;
	v13 =	vadd.s32 v14, v13;
	v14 =	vsel vm1, $0x1, v3  }
0xb6: {  	v13 =	vadd.s32 v14, v13;
	v47 =	vsel vm12, $0x1, v3;
	vm1 =	vge.f32 v11, $8.500000230e-01  }
0xb7: {  	v13 =	vadd.s32 v47, v13;
	v48 =	vsel vm1, $0x1, v3;
	vm1 =	vge.f32 v11, $9.499999880e-01  }
0xb8: {  	v11 =	vadd.s32 v48, v13;
	v49 =	vsel vm1, $0x1, v3  }
0xb9: {  	vm1 =	vge.f32 v12, $5.500000120e-01;
	vm2 =	vge.f32 v12, $-5.000000070e-02;
	vm3 =	vge.f32 v12, $5.000000070e-02  }
0xba: {  	vm4 =	vge.f32 v12, $1.500000060e-01;
	v50 =	vsel vm2, $0x1, v3;
	v15 =	vsel vm3, $0x1, v3  }
0xbb: {  	v51 =	vsel vm4, $0x1, v3;
	vm2 =	vge.f32 v12, $2.500000000e-01;
	v14 =	vadd.s32 v15, v50  }
0xbc: {  	vm3 =	vge.f32 v12, $3.499999940e-01;
	v52 =	vsel vm2, $0x1, v3;
	v14 =	vadd.s32 v51, v14  }
0xbd: {  	v53 =	vsel vm3, $0x1, v3;
	vm2 =	vge.f32 v12, $4.499999880e-01;
	v14 =	vadd.s32 v52, v14  }
0xbe: {  	v11 =	vadd.s32 v49, v11;
	v55 =	vsel vm2, $0x1, v3;
	v54 =	vadd.s32 v53, v14  }
0xbf: {  	v56 =	vsel vm1, $0x1, v3;
	vm1 =	vge.f32 v12, $6.499999760e-01;
	v13 =	vadd.s32 v55, v54  }
0xc0: {  	v57 =	vsel vm1, $0x1, v3;
	vm1 =	vge.f32 v12, $7.500000000e-01;
	v13 =	vadd.s32 v56, v13  }
0xc1: {  	v58 =	vsel vm1, $0x1, v3;
	vm1 =	vge.f32 v12, $8.500000230e-01;
	v13 =	vadd.s32 v57, v13  }
0xc2: {  	v59 =	vld [tilespmem:s19+$0x400];
	v60 =	vsel vm1, $0x1, v3;
	vm1 =	vge.f32 v12, $9.499999880e-01;
	v13 =	vadd.s32 v58, v13  }
0xc3: {  	v11 =	vmax.u32 v11, $0x1;
	v62 =	vsel vm1, $0x1, v3;
	v61 =	vadd.s32 v60, v13  }
0xc4: {  	v63 =	vld [tilespmem:s20+$0x400];
	v11 =	vsub.s32 v11, v8;
	v12 =	vadd.s32 v62, v61  }
0xc5: {  	v11 =	vperm.xlane v9, v11;
	v12 =	vmax.u32 v12, $0x1  }
0xc6: {  	v12 =	vsub.s32 v12, v8  }
0xc7: {  	v11 =	vmul.f32 v11, v59;
	v9 =	vperm.xlane v9, v12;
	_ =	sdelay $0x1  }
0xc8: {  	v10 =	vadd.f32 v11, v10;
	v9 =	vmul.f32 v9, v63;
	_ =	sdelay $0x1  }
0xc9: {  	v9 =	vadd.f32 v9, v10;
	_ =	sdelay $0x1  }
0xca: {  	[tilespmem:$0xA80] =	vst v9  }
0xcb: {  	[spmem:s9] =	stream.linear.scatter [tilespmem:s15], [sflag:$0x1], $0x10, $0x38;
	[tilespmem:$0xBA0] =	vst v63  }
0xcc: {  	_ =	swait.ge [sflag:s11], $0x10  }
0xcd: {  	[sflag:s11] =	ssyncset.done $0x0  }
0xce: {  	[sflag:s11] =	ssyncadd.s32 $0xFFFFFFF0  }
0xcf: {  	[bflag:$0x0] =	sbarrier.arrive $0xFFFF  }
0xd0: {  	[tilespmem:s16], [sflag:$0x1] =	stream.linear.gather @!p0 [spmem:s3], $0x100, $0x38;
	[tilespmem:$0xBA0] =	vst v63  }
0xd1: {  	_ =	swait.ge @!p0 [sflag:s11], $0x100  }
0xd2: {  	[sflag:s11] =	ssyncset.done @!p0 $0x0  }
0xd3: {  	[sflag:s11] =	ssyncadd.s32 @!p0 $0xFFFFFF00  }
0xd4: {  	v9 =	vld @!p0 [tilespmem:$0x900]  }
0xd5: {  	v10 =	vld @!p0 [tilespmem:$0x910];
	_ =	sdelay $0x1  }
0xd6: {  	v11 =	vld @!p0 [tilespmem:$0x920];
	_ =	sdelay $0x1  }
0xd7: {  	v12 =	vld @!p0 [tilespmem:$0x930]  }
0xd8: {  	v9 =	vadd.f32 @!p0 v10, v9  }
0xd9: {  	v10 =	vld @!p0 [tilespmem:$0x940]  }
0xda: {  	v9 =	vadd.f32 @!p0 v11, v9  }
0xdb: {  	v11 =	vld @!p0 [tilespmem:$0x950]  }
0xdc: {  	v9 =	vadd.f32 @!p0 v12, v9  }
0xdd: {  	v12 =	vld @!p0 [tilespmem:$0x960]  }
0xde: {  	v9 =	vadd.f32 @!p0 v10, v9  }
0xdf: {  	v10 =	vld @!p0 [tilespmem:$0x970]  }
0xe0: {  	v9 =	vadd.f32 @!p0 v11, v9  }
0xe1: {  	v11 =	vld @!p0 [tilespmem:$0x980]  }
0xe2: {  	v9 =	vadd.f32 @!p0 v12, v9  }
0xe3: {  	v12 =	vld @!p0 [tilespmem:$0x990]  }
0xe4: {  	v9 =	vadd.f32 @!p0 v10, v9  }
0xe5: {  	v10 =	vld @!p0 [tilespmem:$0x9A0]  }
0xe6: {  	v9 =	vadd.f32 @!p0 v11, v9  }
0xe7: {  	v11 =	vld @!p0 [tilespmem:$0x9B0]  }
0xe8: {  	v9 =	vadd.f32 @!p0 v12, v9  }
0xe9: {  	v12 =	vld @!p0 [tilespmem:$0x9C0]  }
0xea: {  	v9 =	vadd.f32 @!p0 v10, v9  }
0xeb: {  	v10 =	vld @!p0 [tilespmem:$0x9D0]  }
0xec: {  	v9 =	vadd.f32 @!p0 v11, v9  }
0xed: {  	v11 =	vld @!p0 [tilespmem:$0x9E0]  }
0xee: {  	v9 =	vadd.f32 @!p0 v12, v9  }
0xef: {  	v12 =	vld @!p0 [tilespmem:$0x9F0]  }
0xf0: {  	v9 =	vadd.f32 @!p0 v10, v9;
	_ =	sdelay $0x1  }
0xf1: {  	v9 =	vadd.f32 @!p0 v11, v9;
	_ =	sdelay $0x1  }
0xf2: {  	v9 =	vadd.f32 @!p0 v12, v9;
	_ =	sdelay $0x1  }
0xf3: {  	v10 =	vperm.xlane @!p0 v9, v4;
	_ =	sdelay $0x1  }
0xf4: {  	v9 =	vadd.f32 @!p0 v10, v9;
	_ =	sdelay $0x1  }
0xf5: {  	v10 =	vperm.xlane @!p0 v9, v0;
	_ =	sdelay $0x1  }
0xf6: {  	v9 =	vadd.f32 @!p0 v10, v9;
	_ =	sdelay $0x1  }
0xf7: {  	v10 =	vperm.xlane @!p0 v9, v1;
	_ =	sdelay $0x1  }
0xf8: {  	v9 =	vadd.f32 @!p0 v10, v9;
	_ =	sdelay $0x1  }
0xf9: {  	v10 =	vperm.xlane @!p0 v9, v2;
	_ =	sdelay $0x1  }
0xfa: {  	v9 =	vadd.f32 @!p0 v10, v9  }
0xfb: {  	s18 =	sadd.s32 $0x1, s18  }
0xfc: {  	p1 =	sne.s32 s18, s10;
	v9 =	vnsel @!p0 vm0, $0x0, v9  }
.Ltmp2:
0xfd: {  	[tilespmem:$0xB00] =	vst @!p0 v9;
	(pc) =	sbr.rel @p1 .LBB2_1-.Ltmp2, $4  }
0xfe: {  	[hbm4b:s0+s4] =	stream.linear.scatter @!p0 [tilespmem:s17], [sflag:$0x1], $0x80, $0x38;
	[tilespmem:$0xBA0] =	vst v63  }
0xff: {  	_ =	swait.ge @!p0 [sflag:s11], $0x80  }
0x100: {  	[sflag:s11] =	ssyncset.done @!p0 $0x0  }
0x101: {  	[sflag:s11] =	ssyncadd.s32 @!p0 $0xFFFFFF80  }
0x102: {  	_ =	sfence.sel $0x180000  }
0x103: {  	[bflag:$0x0] =	sbarrier.arrive $0xFFFF  }
0x104: {  	p0 =	sne.s32 s5, $0x0;
	_ =	strace $0x90000047  }
0x105: {  	s0 =	sadd.s32 @!p0 $0x100000, s2;
	[bflag:$0x2] =	sbarrier.arrive $0xFFFF  }
0x106: {  	[sflag:s0] =	ssyncadd.tile.s32 @!p0 $0x1;
	_ =	shalt  }
.Lfunc_end2:
_tile_overlayer_lowered:
.L_overlay_start_2:
0x107: {  	(tag) =	ssettag $0x2  }
0x108: {  	s0 =	rddreg [dreg:$0x0];
	s2 =	stileid.u32  }
0x109: {  	s1 =	rddreg [dreg:$0x1];
	p0 =	sne.s32 s2, $0x0  }
0x10a: {  	s3 =	rddreg [dreg:$0x2];
	[bflag:$0x3] =	sbarrier.arrive $0xFFFF;
	s2 =	simm.s32 @!p0 $0x1C01  }
0x10b: {  	[timem:s3], [sflag:s2] =	dma.local @!p0 [hbm:s0], s1  }
0x10c: {  	s0 =	simm.s32 @!p0 $0x1  }
0x10d: {  	_ =	swait.ge @!p0 [sflag:s0], s1  }
0x10e: {  	s1 =	ssub.s32 @!p0 $0x0, s1;
	[sflag:s0] =	ssyncset.done @!p0 $0x0  }
0x10f: {  	[sflag:s0] =	ssyncadd.s32 @!p0 s1  }
0x110: {  	[bflag:$0x3] =	sbarrier.arrive $0xFFFF  }
0x111: {  	_ =	shalt  }

</sc_bundles>
